<compile_context>
chip_gen: v7x
topology: tpu7x:2x2x1
jax: 0.10.2.dev20260603
libtpu: 0.0.44.dev20260713+nightly
codegen_flags: <defaults>
</compile_context>

<pallas_src>
import functools

import jax
import jax.numpy as jnp
from jax import lax
from jax.experimental import pallas as pl
from jax.experimental.pallas import tpu as pltpu
from jax.experimental.pallas import tpu_sc as plsc

N = 10000
E = 320000
B = 16
S = 128
NE = 4
STEPS = 2

NC = 2
NS = 16
NW = NC * NS
EPW = E // NW
K = 80
ITERS = EPW // K
NPAD = 10240
RPS = NPAD // NS

R = 1000
NB = N // R
NP = 10240
RP = 1024
NBP = NP // RP

_f32 = jnp.float32


def _sc_pre_body(ef_hbm, ed3_hbm, nodes_hbm, lin_hbm, zns_hbm, ones_hbm, es_hbm,
                 ef_out, deg_out, g0_out, nn_out,
                 acc, didx2d, sidx_all, rows_a, rows_b, lin_v, nn_v,
                 sem_a, sem_b):
    c = lax.axis_index("c")
    s = lax.axis_index("s")
    wid = c * NS + s
    r0 = s * RPS

    @pl.when(jnp.logical_and(c == 0, s == 0))
    def _():
        pltpu.sync_copy(lin_hbm, lin_v)
        pltpu.async_copy(nodes_hbm.at[lin_v], nn_v, sem_a).wait()
        pltpu.sync_copy(nn_v, nn_out)

    pltpu.sync_copy(ed3_hbm.at[wid], didx2d)
    pltpu.sync_copy(es_hbm.at[pl.ds(wid * EPW, EPW)], sidx_all)
    pltpu.sync_copy(zns_hbm.at[pl.ds(r0, RPS)], acc.at[pl.ds(r0, RPS)])
    plsc.subcore_barrier()

    def src(i):
        return ef_hbm.at[pl.ds(wid * EPW + i * K, K)]

    pltpu.async_copy(src(0), rows_a, sem_a)

    def body(j, carry):
        i0 = 2 * j
        pltpu.async_copy(src(i0 + 1), rows_b, sem_b)
        pltpu.make_async_copy(src(i0), rows_a, sem_a).wait()
        pltpu.sync_copy(rows_a, acc.at[didx2d.at[i0]], add=True)
        pltpu.async_copy(src(i0 + 2), rows_a, sem_a)
        pltpu.make_async_copy(src(i0 + 1), rows_b, sem_b).wait()
        pltpu.sync_copy(rows_b, acc.at[didx2d.at[i0 + 1]], add=True)
        return carry

    lax.fori_loop(0, (ITERS - 1) // 2, body, 0)
    pltpu.make_async_copy(src(ITERS - 1), rows_a, sem_a).wait()
    pltpu.sync_copy(rows_a, acc.at[didx2d.at[ITERS - 1]], add=True)
    plsc.subcore_barrier()
    pltpu.sync_copy(acc.at[pl.ds(r0, RPS)], ef_out.at[pl.ds(c * NPAD + r0, RPS)])
    plsc.subcore_barrier()

    pltpu.sync_copy(zns_hbm.at[pl.ds(r0, RPS)], acc.at[pl.ds(r0, RPS)])
    pltpu.sync_copy(ones_hbm, rows_a)
    plsc.subcore_barrier()

    def body2(i, carry):
        pltpu.sync_copy(rows_a, acc.at[didx2d.at[i]], add=True)
        return carry

    lax.fori_loop(0, ITERS, body2, 0)
    plsc.subcore_barrier()
    pltpu.sync_copy(acc.at[pl.ds(r0, RPS)], deg_out.at[pl.ds(c * NPAD + r0, RPS)])
    plsc.subcore_barrier()

    pltpu.sync_copy(zns_hbm.at[pl.ds(r0, RPS)], acc.at[pl.ds(r0, RPS)])
    plsc.subcore_barrier()

    def gsrc(i):
        return nodes_hbm.at[sidx_all.at[pl.ds(i * K, K)]]

    pltpu.async_copy(gsrc(0), rows_a, sem_a)

    def body3(j, carry):
        i0 = 2 * j
        pltpu.async_copy(gsrc(i0 + 1), rows_b, sem_b)
        pltpu.make_async_copy(gsrc(i0), rows_a, sem_a).wait()
        pltpu.sync_copy(rows_a, acc.at[didx2d.at[i0]], add=True)
        pltpu.async_copy(gsrc(i0 + 2), rows_a, sem_a)
        pltpu.make_async_copy(gsrc(i0 + 1), rows_b, sem_b).wait()
        pltpu.sync_copy(rows_b, acc.at[didx2d.at[i0 + 1]], add=True)
        return carry

    lax.fori_loop(0, (ITERS - 1) // 2, body3, 0)
    pltpu.make_async_copy(gsrc(ITERS - 1), rows_a, sem_a).wait()
    pltpu.sync_copy(rows_a, acc.at[didx2d.at[ITERS - 1]], add=True)
    plsc.subcore_barrier()
    pltpu.sync_copy(acc.at[pl.ds(r0, RPS)], g0_out.at[pl.ds(c * NPAD + r0, RPS)])


def _sc_gather_body(nodes_hbm, es_hbm, ed3_hbm, zns_hbm, g_out,
                    acc, sidx_all, didx2d, rows_a, rows_b,
                    sem_a, sem_b):
    c = lax.axis_index("c")
    s = lax.axis_index("s")
    wid = c * NS + s
    r0 = s * RPS
    pltpu.sync_copy(es_hbm.at[pl.ds(wid * EPW, EPW)], sidx_all)
    pltpu.sync_copy(ed3_hbm.at[wid], didx2d)
    pltpu.sync_copy(zns_hbm.at[pl.ds(r0, RPS)], acc.at[pl.ds(r0, RPS)])
    plsc.subcore_barrier()

    def src(i):
        return nodes_hbm.at[sidx_all.at[pl.ds(i * K, K)]]

    pltpu.async_copy(src(0), rows_a, sem_a)

    def body(j, carry):
        i0 = 2 * j
        pltpu.async_copy(src(i0 + 1), rows_b, sem_b)
        pltpu.make_async_copy(src(i0), rows_a, sem_a).wait()
        pltpu.sync_copy(rows_a, acc.at[didx2d.at[i0]], add=True)
        pltpu.async_copy(src(i0 + 2), rows_a, sem_a)
        pltpu.make_async_copy(src(i0 + 1), rows_b, sem_b).wait()
        pltpu.sync_copy(rows_b, acc.at[didx2d.at[i0 + 1]], add=True)
        return carry

    lax.fori_loop(0, (ITERS - 1) // 2, body, 0)
    pltpu.make_async_copy(src(ITERS - 1), rows_a, sem_a).wait()
    pltpu.sync_copy(rows_a, acc.at[didx2d.at[ITERS - 1]], add=True)
    plsc.subcore_barrier()
    pltpu.sync_copy(acc.at[pl.ds(r0, RPS)], g_out.at[pl.ds(c * NPAD + r0, RPS)])


@functools.cache
def _build_sc_kernels():
    mesh = plsc.VectorSubcoreMesh(core_axis_name="c", subcore_axis_name="s")
    sc_pre = pl.kernel(
        _sc_pre_body,
        out_type=(
            jax.ShapeDtypeStruct((NC * NPAD, S), _f32),
            jax.ShapeDtypeStruct((NC * NPAD, S), _f32),
            jax.ShapeDtypeStruct((NC * NPAD, S), _f32),
            jax.ShapeDtypeStruct((B, S), _f32),
        ),
        mesh=mesh,
        scratch_types=[
            pltpu.VMEM_SHARED((NPAD, S), _f32),
            pltpu.VMEM((ITERS, K), jnp.int32),
            pltpu.VMEM((EPW,), jnp.int32),
            pltpu.VMEM((K, S), _f32),
            pltpu.VMEM((K, S), _f32),
            pltpu.VMEM((B,), jnp.int32),
            pltpu.VMEM((B, S), _f32),
            pltpu.SemaphoreType.DMA,
            pltpu.SemaphoreType.DMA,
        ],
    )
    sc_gather = pl.kernel(
        _sc_gather_body,
        out_type=jax.ShapeDtypeStruct((NC * NPAD, S), _f32),
        mesh=mesh,
        scratch_types=[
            pltpu.VMEM_SHARED((NPAD, S), _f32),
            pltpu.VMEM((EPW,), jnp.int32),
            pltpu.VMEM((ITERS, K), jnp.int32),
            pltpu.VMEM((K, S), _f32),
            pltpu.VMEM((K, S), _f32),
            pltpu.SemaphoreType.DMA,
            pltpu.SemaphoreType.DMA,
        ],
    )
    return sc_pre, sc_gather


def _sc_pre(*args):
    return _build_sc_kernels()[0](*args)


def _sc_gather(*args):
    return _build_sc_kernels()[1](*args)


def _gru_block(nodes_ref, gp_ref, efp_ref, dp_ref, omt_ref, runf_ref,
               wsrc_ref, wdst_ref, bdst_ref, wef_ref,
               wih_ref, bih_ref, whh_ref, bhh_ref):
    h = nodes_ref[...]
    g = gp_ref[0] + gp_ref[1]
    efa = efp_ref[0] + efp_ref[1]
    deg = dp_ref[0, :, :1] + dp_ref[1, :, :1]
    dst_t = jnp.dot(h, wdst_ref[...], preferred_element_type=_f32) + bdst_ref[...]
    inputs = (jnp.dot(g, wsrc_ref[...], preferred_element_type=_f32)
              + deg * dst_t
              + jnp.dot(efa, wef_ref[...], preferred_element_type=_f32))
    gi = jnp.dot(inputs, wih_ref[...], preferred_element_type=_f32) + bih_ref[...]
    gh = jnp.dot(h, whh_ref[...], preferred_element_type=_f32) + bhh_ref[...]
    r = jax.nn.sigmoid(gi[:, :S] + gh[:, :S])
    z = jax.nn.sigmoid(gi[:, S:2 * S] + gh[:, S:2 * S])
    n = jnp.tanh(gi[:, 2 * S:] + r * gh[:, 2 * S:])
    new = (1.0 - z) * n + z * h
    nm = jnp.sum(omt_ref[...].astype(_f32) * runf_ref[...],
                 axis=1, keepdims=True) > 0.0
    return jnp.where(nm, new, h)


def _step_body(nodes_ref, gp_ref, efp_ref, dp_ref, omt_ref, runf_ref,
               wsrc_ref, wdst_ref, bdst_ref, wef_ref,
               wih_ref, bih_ref, whh_ref, bhh_ref, out_ref):
    out_ref[...] = _gru_block(nodes_ref, gp_ref, efp_ref, dp_ref, omt_ref,
                              runf_ref, wsrc_ref, wdst_ref, bdst_ref, wef_ref,
                              wih_ref, bih_ref, whh_ref, bhh_ref)


def _head_block(x, i, om_ref, nn_ref, wg_ref, bg_ref, wa_ref, ba_ref,
                wt_ref, bt_ref, wn_ref, wae_ref, bae_ref, wan_ref,
                ml_ref, agg_ref, ne_ref):
    gates = jax.nn.sigmoid(
        jnp.dot(x, wg_ref[...], preferred_element_type=_f32) + bg_ref[...])
    data = jnp.dot(x, wa_ref[...], preferred_element_type=_f32) + ba_ref[...]
    dm = data * gates
    om = om_ref[...]

    @pl.when(i == 0)
    def _():
        agg_ref[...] = jnp.zeros_like(agg_ref)

    agg_ref[...] += jnp.dot(om.astype(_f32), dm, preferred_element_type=_f32)

    lt = lax.dot_general(wt_ref[...], x, (((1,), (1,)), ((), ())),
                         preferred_element_type=_f32)
    nn8 = jnp.dot(nn_ref[...], wn_ref[...], preferred_element_type=_f32)
    neg = jnp.float32(-1e9)
    for t in range(NE):
        val = lt[t:t + 1, :] + bt_ref[:, t:t + 1] + nn8[:, t:t + 1]
        ml_ref[t] = jnp.where(om > 0, val, neg)

    @pl.when(i == NBP - 1)
    def _():
        ne_ref[...] = (
            jnp.dot(agg_ref[...], wae_ref[...], preferred_element_type=_f32)
            + jnp.dot(nn_ref[...], wan_ref[...], preferred_element_type=_f32)
            + bae_ref[...])


def _step_head_body(nodes_ref, gp_ref, efp_ref, dp_ref, omt_ref, runf_ref,
                    wsrc_ref, wdst_ref, bdst_ref, wef_ref,
                    wih_ref, bih_ref, whh_ref, bhh_ref,
                    om_ref, nn_ref, wg_ref, bg_ref, wa_ref, ba_ref,
                    wt_ref, bt_ref, wn_ref, wae_ref, bae_ref, wan_ref,
                    ml_ref, agg_ref, ne_ref):
    x = _gru_block(nodes_ref, gp_ref, efp_ref, dp_ref, omt_ref, runf_ref,
                   wsrc_ref, wdst_ref, bdst_ref, wef_ref,
                   wih_ref, bih_ref, whh_ref, bhh_ref)
    _head_block(x, pl.program_id(0), om_ref, nn_ref, wg_ref, bg_ref, wa_ref,
                ba_ref, wt_ref, bt_ref, wn_ref, wae_ref, bae_ref, wan_ref,
                ml_ref, agg_ref, ne_ref)


_step_specs = [
    pl.BlockSpec((RP, S), lambda i: (i, 0)),
    pl.BlockSpec((NC, RP, S), lambda i: (0, i, 0)),
    pl.BlockSpec((NC, RP, S), lambda i: (0, i, 0)),
    pl.BlockSpec((NC, RP, S), lambda i: (0, i, 0)),
    pl.BlockSpec((RP, B), lambda i: (i, 0)),
    pl.BlockSpec((1, B), lambda i: (0, 0)),
    pl.BlockSpec((S, 2 * S), lambda i: (0, 0)),
    pl.BlockSpec((S, 2 * S), lambda i: (0, 0)),
    pl.BlockSpec((1, 2 * S), lambda i: (0, 0)),
    pl.BlockSpec((S, 2 * S), lambda i: (0, 0)),
    pl.BlockSpec((2 * S, 3 * S), lambda i: (0, 0)),
    pl.BlockSpec((1, 3 * S), lambda i: (0, 0)),
    pl.BlockSpec((S, 3 * S), lambda i: (0, 0)),
    pl.BlockSpec((1, 3 * S), lambda i: (0, 0)),
]

_head_specs = [
    pl.BlockSpec((B, RP), lambda i: (0, i)),
    pl.BlockSpec((B, S), lambda i: (0, 0)),
    pl.BlockSpec((S, S), lambda i: (0, 0)),
    pl.BlockSpec((1, S), lambda i: (0, 0)),
    pl.BlockSpec((S, S), lambda i: (0, 0)),
    pl.BlockSpec((1, S), lambda i: (0, 0)),
    pl.BlockSpec((8, S), lambda i: (0, 0)),
    pl.BlockSpec((1, 8), lambda i: (0, 0)),
    pl.BlockSpec((S, 8), lambda i: (0, 0)),
    pl.BlockSpec((S, 8), lambda i: (0, 0)),
    pl.BlockSpec((1, 8), lambda i: (0, 0)),
    pl.BlockSpec((S, 8), lambda i: (0, 0)),
]

_step_call = pl.pallas_call(
    _step_body,
    grid=(NBP,),
    in_specs=_step_specs,
    out_specs=pl.BlockSpec((RP, S), lambda i: (i, 0)),
    out_shape=jax.ShapeDtypeStruct((NPAD, S), _f32),
)

_step_head_call = pl.pallas_call(
    _step_head_body,
    grid=(NBP,),
    in_specs=_step_specs + _head_specs,
    out_specs=[
        pl.BlockSpec((NE, B, RP), lambda i: (0, 0, i)),
        pl.BlockSpec((B, S), lambda i: (0, 0)),
        pl.BlockSpec((B, 8), lambda i: (0, 0)),
    ],
    out_shape=[
        jax.ShapeDtypeStruct((NE, B, NPAD), _f32),
        jax.ShapeDtypeStruct((B, S), _f32),
        jax.ShapeDtypeStruct((B, 8), _f32),
    ],
)


def kernel(nodes, edge_features, edge_source, edge_dest, owner_masks,
           last_inserted_node, running, params):
    p = params
    es = edge_source.astype(jnp.int32)
    ed3 = edge_dest.astype(jnp.int32).reshape(NW, ITERS, K)
    lin = last_inserted_node.astype(jnp.int32)
    zns = jnp.zeros((NPAD, S), _f32)
    ones_k = jnp.ones((K, S), _f32)

    ef_part, deg_part, g0_part, new_nodes = _sc_pre(
        edge_features, ed3, nodes, lin, zns, ones_k, es)
    ef_part = ef_part.reshape(NC, NPAD, S)
    deg_part = deg_part.reshape(NC, NPAD, S)

    om_p = jnp.concatenate(
        [owner_masks, jnp.zeros((B, NPAD - N), owner_masks.dtype)], axis=1)
    omt_p = om_p.T
    runf = running.astype(_f32).reshape(1, B)
    h = jnp.concatenate([nodes, jnp.zeros((NPAD - N, S), _f32)], axis=0)

    def step_w(s):
        return (p[f"W_src{s}"].T, p[f"W_dst{s}"].T,
                p[f"b_dst{s}"].reshape(1, 2 * S), p[f"W_ef{s}"].T,
                p[f"W_ih{s}"].T, p[f"b_ih{s}"].reshape(1, 3 * S),
                p[f"W_hh{s}"].T, p[f"b_hh{s}"].reshape(1, 3 * S))

    h = _step_call(h, g0_part.reshape(NC, NPAD, S), ef_part, deg_part,
                   omt_p, runf, *step_w(0))

    g1_part = _sc_gather(h, es, ed3, zns).reshape(NC, NPAD, S)

    wt8 = jnp.concatenate([p["W_t"], jnp.zeros((8 - NE, S), _f32)], axis=0)
    bt8 = jnp.concatenate([p["b_t"], jnp.zeros((8 - NE,), _f32)]).reshape(1, 8)
    wn8 = jnp.concatenate([p["W_n"].T, jnp.zeros((S, 8 - NE), _f32)], axis=1)
    wae8 = jnp.concatenate([p["W_ae"].T, jnp.zeros((S, 7), _f32)], axis=1)
    bae8 = jnp.concatenate([p["b_ae"], jnp.zeros((7,), _f32)]).reshape(1, 8)
    wan8 = jnp.concatenate([p["W_an"].T, jnp.zeros((S, 7), _f32)], axis=1)

    ml4, _agg, ne8 = _step_head_call(
        h, g1_part, ef_part, deg_part, omt_p, runf, *step_w(1),
        om_p, new_nodes,
        p["W_agg_g"].T, p["b_agg_g"].reshape(1, S),
        p["W_agg_t"].T, p["b_agg_t"].reshape(1, S),
        wt8, bt8, wn8, wae8, bae8, wan8)

    masked_logits = ml4[:, :, :N].transpose(1, 2, 0).reshape(B, N * NE)
    new_edge_needed = ne8[:, 0]
    return new_edge_needed, masked_logits

# --- scband reference (transcript-rebuilt; emitter-appended) ---
"""Pipeline reference for scband-edge-adder-21801253994887 (READ-ONLY COPY).

The authoritative reference and input builder live on the scoring server;
editing this copy changes nothing except your own understanding.
"""

import jax, jax.numpy as jnp
import numpy as np

N = 10000
E = 320000
B = 16
S = 128
A = 128
NE = 4
STEPS = 2


def _gru_cell(x, h, Wih, Whh, bih, bhh):
    gi = x @ Wih.T + bih
    gh = h @ Whh.T + bhh
    ir, iz, inn = jnp.split(gi, 3, axis=1)
    hr, hz, hn = jnp.split(gh, 3, axis=1)
    r = jax.nn.sigmoid(ir + hr)
    z = jax.nn.sigmoid(iz + hz)
    n = jnp.tanh(inn + r * hn)
    return (1.0 - z) * n + z * h


def setup_inputs(seed: int = 0) -> dict:
    key = jax.random.key(seed)
    ks = iter(jax.random.split(key, 64))
    inp = {}
    inp["nodes"] = jax.random.normal(next(ks), (N, S), dtype=jnp.float32)
    inp["edge_features"] = jax.random.normal(next(ks), (E, S), dtype=jnp.float32)
    inp["edge_source"] = jax.random.randint(next(ks), (E,), 0, N)
    inp["edge_dest"] = jax.random.randint(next(ks), (E,), 0, N)
    inp["owner_masks"] = jax.random.randint(next(ks), (B, N), 0, 2).astype(jnp.int32)
    inp["last_inserted_node"] = jax.random.randint(next(ks), (B,), 0, N)
    inp["running"] = jnp.ones((B,), dtype=jnp.bool_)
    sc = 0.05
    p = {}
    for s in range(STEPS):
        p[f"W_src{s}"] = sc * jax.random.normal(next(ks), (2 * S, S), dtype=jnp.float32)
        p[f"W_dst{s}"] = sc * jax.random.normal(next(ks), (2 * S, S), dtype=jnp.float32)
        p[f"b_dst{s}"] = jnp.zeros((2 * S,), dtype=jnp.float32)
        p[f"W_ef{s}"] = sc * jax.random.normal(next(ks), (2 * S, S), dtype=jnp.float32)
        p[f"W_ih{s}"] = sc * jax.random.normal(next(ks), (3 * S, 2 * S), dtype=jnp.float32)
        p[f"W_hh{s}"] = sc * jax.random.normal(next(ks), (3 * S, S), dtype=jnp.float32)
        p[f"b_ih{s}"] = jnp.zeros((3 * S,), dtype=jnp.float32)
        p[f"b_hh{s}"] = jnp.zeros((3 * S,), dtype=jnp.float32)
    p["W_agg_t"] = sc * jax.random.normal(next(ks), (A, S), dtype=jnp.float32)
    p["b_agg_t"] = jnp.zeros((A,), dtype=jnp.float32)
    p["W_agg_g"] = sc * jax.random.normal(next(ks), (A, S), dtype=jnp.float32)
    p["b_agg_g"] = jnp.zeros((A,), dtype=jnp.float32)
    p["W_ae"] = sc * jax.random.normal(next(ks), (1, A), dtype=jnp.float32)
    p["b_ae"] = jnp.zeros((1,), dtype=jnp.float32)
    p["W_an"] = sc * jax.random.normal(next(ks), (1, S), dtype=jnp.float32)
    p["W_t"] = sc * jax.random.normal(next(ks), (NE, S), dtype=jnp.float32)
    p["b_t"] = jnp.zeros((NE,), dtype=jnp.float32)
    p["W_n"] = sc * jax.random.normal(next(ks), (NE, S), dtype=jnp.float32)
    inp["params"] = p
    return inp


def _forward(nodes, edge_features, edge_source, edge_dest, owner_masks, last_inserted_node, running, p):
    new_nodes = nodes[last_inserted_node]
    om_f = owner_masks.astype(jnp.float32)
    run_f = running.astype(jnp.float32)
    # Propagator._node_update_mask: owner_masks[running].sum(0) > 0 (running constant across steps here)
    node_mask = (om_f * run_f[:, None]).sum(0) > 0
    for s in range(STEPS):
        src_t = nodes @ p[f"W_src{s}"].T
        dst_t = nodes @ p[f"W_dst{s}"].T + p[f"b_dst{s}"]
        ef = edge_features @ p[f"W_ef{s}"].T
        messages = src_t[edge_source] + dst_t[edge_dest] + ef
        inputs = jnp.zeros((nodes.shape[0], 2 * S), dtype=nodes.dtype).at[edge_dest].add(messages)
        new = _gru_cell(inputs, nodes, p[f"W_ih{s}"], p[f"W_hh{s}"], p[f"b_ih{s}"], p[f"b_hh{s}"])
        nodes = jnp.where(node_mask[:, None], new, nodes)
    # Aggregator (edge_decision_aggregator)
    gates = jax.nn.sigmoid(nodes @ p["W_agg_g"].T + p["b_agg_g"])
    data = nodes @ p["W_agg_t"].T + p["b_agg_t"]
    agg = om_f @ (data * gates)
    new_edge_needed = (agg @ p["W_ae"].T + p["b_ae"] + new_nodes @ p["W_an"].T)[:, 0]
    logits = (nodes @ p["W_t"].T + p["b_t"])[None, :, :] + (new_nodes @ p["W_n"].T)[:, None, :]
    logits = logits.reshape(logits.shape[0], -1)
    ome = jnp.broadcast_to(owner_masks[:, :, None], (owner_masks.shape[0], owner_masks.shape[1], NE)).reshape(owner_masks.shape[0], -1)
    masked_logits = jnp.where(ome > 0, logits, jnp.float32(-1e9))
    return new_edge_needed, masked_logits


def reference(nodes, edge_features, edge_source, edge_dest, owner_masks, last_inserted_node, running, params):
    return _forward(nodes, edge_features, edge_source, edge_dest, owner_masks, last_inserted_node, running, params)

if __name__ == "__main__":
    import jax
    _d = setup_inputs()
    print(jax.jit(kernel)(*tuple(_d.values())))

</pallas_src>

<mosaic_0001>
#map = affine_map<(d0, d1) -> (0, 0)>
#map1 = affine_map<(d0, d1) -> (0)>
#map2 = affine_map<(d0, d1) -> (0, 0, 0)>
module attributes {stable_mosaic.version = 14 : i64} {
  func.func @_sc_gather_body(%arg0: i32, %arg1: i32, %arg2: memref<10240x128xf32, #tpu.memory_space<hbm>>, %arg3: memref<320000xi32, #tpu.memory_space<hbm>>, %arg4: memref<32x125x80xi32, #tpu.memory_space<hbm>>, %arg5: memref<10240x128xf32, #tpu.memory_space<hbm>>, %arg6: memref<20480x128xf32, #tpu.memory_space<hbm>>, %arg7: memref<10240x128xf32, #tpu.memory_space<vmem_shared>>, %arg8: memref<10000xi32, #tpu.memory_space<vmem>>, %arg9: memref<125x80xi32, #tpu.memory_space<vmem>>, %arg10: memref<80x128xf32, #tpu.memory_space<vmem>>, %arg11: memref<80x128xf32, #tpu.memory_space<vmem>>, %arg12: memref<!tpu.dma_semaphore, #tpu.memory_space<semaphore_mem>>, %arg13: memref<!tpu.dma_semaphore, #tpu.memory_space<semaphore_mem>>) attributes {dimension_semantics = [#tpu.dimension_semantics<core_parallel>, #tpu.dimension_semantics<subcore_parallel>], iteration_bounds = array<i64: 2, 16>, scalar_prefetch = 0 : i64, scratch_operands = 7 : i64, tpu.core_type = #tpu.core_type<sc_vector_subcore>, window_params = [{transform_indices = #map}, {transform_indices = #map1}, {transform_indices = #map2}, {transform_indices = #map}, {transform_indices = #map}]} {
    %mul3A = arith.constant 16 : i32
    %mul3A_0 = arith.muli %arg0, %mul3A : i32
    %add3A = arith.addi %mul3A_0, %arg1 : i32
    %mul3A_1 = arith.constant 640 : i32
    %mul3A_2 = arith.muli %arg1, %mul3A_1 : i32
    %mul3A_3 = arith.constant 10000 : i32
    %mul3A_4 = arith.muli %add3A, %mul3A_3 : i32
    "tpu.region"() ({
      %run_scoped3A_22 = tpu.sem_alloc : memref<!tpu.dma_semaphore, #tpu.memory_space<semaphore_mem>>
      %dma_start3A_23 = tpu.memref_slice %arg3[%mul3A_4] : memref<320000xi32, #tpu.memory_space<hbm>> -> memref<10000xi32, #tpu.memory_space<hbm>>
      %dma_start3A_24 = tpu.memref_slice %arg3[%mul3A_4] : memref<320000xi32, #tpu.memory_space<hbm>> -> memref<10000xi32, #tpu.memory_space<hbm>>
      tpu.enqueue_dma source(%dma_start3A_24 : memref<10000xi32, #tpu.memory_space<hbm>>) target(%arg8 : memref<10000xi32, #tpu.memory_space<vmem>>) target_semaphore(%run_scoped3A_22 : memref<!tpu.dma_semaphore, #tpu.memory_space<semaphore_mem>>)
      %dma_wait3A_25 = tpu.memref_slice %arg3[%mul3A_4] : memref<320000xi32, #tpu.memory_space<hbm>> -> memref<10000xi32, #tpu.memory_space<hbm>>
      %dma_wait3A_26 = tpu.memref_slice %arg3[%mul3A_4] : memref<320000xi32, #tpu.memory_space<hbm>> -> memref<10000xi32, #tpu.memory_space<hbm>>
      tpu.wait_dma2 semaphore(%run_scoped3A_22 : memref<!tpu.dma_semaphore, #tpu.memory_space<semaphore_mem>>) src(%dma_wait3A_26 : memref<10000xi32, #tpu.memory_space<hbm>>) dst(%arg8 : memref<10000xi32, #tpu.memory_space<vmem>>)
      tpu.yield
    }) : () -> ()
    "tpu.region"() ({
      %run_scoped3A_22 = tpu.sem_alloc : memref<!tpu.dma_semaphore, #tpu.memory_space<semaphore_mem>>
      %dma_start3A_23 = arith.constant 0 : i32
      %dma_start3A_24 = arith.constant 0 : i32
      %dma_start3A_25 = tpu.memref_slice %arg4[%add3A, %dma_start3A_23, %dma_start3A_24] : memref<32x125x80xi32, #tpu.memory_space<hbm>> -> memref<1x125x80xi32, #tpu.memory_space<hbm>>
      %dma_start3A_26 = tpu.memref_squeeze %dma_start3A_25 : memref<1x125x80xi32, #tpu.memory_space<hbm>> -> memref<125x80xi32, #tpu.memory_space<hbm>>
      %dma_start3A_27 = arith.constant 0 : i32
      %dma_start3A_28 = arith.constant 0 : i32
      %dma_start3A_29 = tpu.memref_slice %arg4[%add3A, %dma_start3A_27, %dma_start3A_28] : memref<32x125x80xi32, #tpu.memory_space<hbm>> -> memref<1x125x80xi32, #tpu.memory_space<hbm>>
      %dma_start3A_30 = tpu.memref_squeeze %dma_start3A_29 : memref<1x125x80xi32, #tpu.memory_space<hbm>> -> memref<125x80xi32, #tpu.memory_space<hbm>>
      tpu.enqueue_dma source(%dma_start3A_30 : memref<125x80xi32, #tpu.memory_space<hbm>>) target(%arg9 : memref<125x80xi32, #tpu.memory_space<vmem>>) target_semaphore(%run_scoped3A_22 : memref<!tpu.dma_semaphore, #tpu.memory_space<semaphore_mem>>)
      %dma_wait3A_31 = arith.constant 0 : i32
      %dma_wait3A_32 = arith.constant 0 : i32
      %dma_wait3A_33 = tpu.memref_slice %arg4[%add3A, %dma_wait3A_31, %dma_wait3A_32] : memref<32x125x80xi32, #tpu.memory_space<hbm>> -> memref<1x125x80xi32, #tpu.memory_space<hbm>>
      %dma_wait3A_34 = tpu.memref_squeeze %dma_wait3A_33 : memref<1x125x80xi32, #tpu.memory_space<hbm>> -> memref<125x80xi32, #tpu.memory_space<hbm>>
      %dma_wait3A_35 = arith.constant 0 : i32
      %dma_wait3A_36 = arith.constant 0 : i32
      %dma_wait3A_37 = tpu.memref_slice %arg4[%add3A, %dma_wait3A_35, %dma_wait3A_36] : memref<32x125x80xi32, #tpu.memory_space<hbm>> -> memref<1x125x80xi32, #tpu.memory_space<hbm>>
      %dma_wait3A_38 = tpu.memref_squeeze %dma_wait3A_37 : memref<1x125x80xi32, #tpu.memory_space<hbm>> -> memref<125x80xi32, #tpu.memory_space<hbm>>
      tpu.wait_dma2 semaphore(%run_scoped3A_22 : memref<!tpu.dma_semaphore, #tpu.memory_space<semaphore_mem>>) src(%dma_wait3A_38 : memref<125x80xi32, #tpu.memory_space<hbm>>) dst(%arg9 : memref<125x80xi32, #tpu.memory_space<vmem>>)
      tpu.yield
    }) : () -> ()
    "tpu.region"() ({
      %run_scoped3A_22 = tpu.sem_alloc : memref<!tpu.dma_semaphore, #tpu.memory_space<semaphore_mem>>
      %dma_start3A_23 = arith.constant 0 : i32
      %dma_start3A_24 = tpu.memref_slice %arg7[%mul3A_2, %dma_start3A_23] : memref<10240x128xf32, #tpu.memory_space<vmem_shared>> -> memref<640x128xf32, #tpu.memory_space<vmem_shared>>
      %dma_start3A_25 = arith.constant 0 : i32
      %dma_start3A_26 = tpu.memref_slice %arg5[%mul3A_2, %dma_start3A_25] : memref<10240x128xf32, #tpu.memory_space<hbm>> -> memref<640x128xf32, #tpu.memory_space<hbm>>
      tpu.enqueue_dma source(%dma_start3A_26 : memref<640x128xf32, #tpu.memory_space<hbm>>) target(%dma_start3A_24 : memref<640x128xf32, #tpu.memory_space<vmem_shared>>) target_semaphore(%run_scoped3A_22 : memref<!tpu.dma_semaphore, #tpu.memory_space<semaphore_mem>>)
      %dma_wait3A_27 = arith.constant 0 : i32
      %dma_wait3A_28 = tpu.memref_slice %arg7[%mul3A_2, %dma_wait3A_27] : memref<10240x128xf32, #tpu.memory_space<vmem_shared>> -> memref<640x128xf32, #tpu.memory_space<vmem_shared>>
      %dma_wait3A_29 = arith.constant 0 : i32
      %dma_wait3A_30 = tpu.memref_slice %arg5[%mul3A_2, %dma_wait3A_29] : memref<10240x128xf32, #tpu.memory_space<hbm>> -> memref<640x128xf32, #tpu.memory_space<hbm>>
      tpu.wait_dma2 semaphore(%run_scoped3A_22 : memref<!tpu.dma_semaphore, #tpu.memory_space<semaphore_mem>>) src(%dma_wait3A_30 : memref<640x128xf32, #tpu.memory_space<hbm>>) dst(%dma_wait3A_28 : memref<640x128xf32, #tpu.memory_space<vmem_shared>>)
      tpu.yield
    }) : () -> ()
    %barrier3A = arith.constant 0 : index
    tpu.barrier barrier_id(%barrier3A)
    %dma_start3A = arith.constant 0 : i32
    %dma_start3A_5 = tpu.memref_slice %arg8[%dma_start3A] : memref<10000xi32, #tpu.memory_space<vmem>> -> memref<80xi32, #tpu.memory_space<vmem>>
    %dma_start3A_6 = arith.constant 0 : i32
    %dma_start3A_7 = arith.constant 0 : i32
    %dma_start3A_8 = tpu.memref_slice %arg2[%dma_start3A_6, %dma_start3A_7] : memref<10240x128xf32, #tpu.memory_space<hbm>> -> memref<10240x128xf32, #tpu.memory_space<hbm>>
    tpu.enqueue_indirect_dma source(%dma_start3A_8 : memref<10240x128xf32, #tpu.memory_space<hbm>>) target(%arg10 : memref<80x128xf32, #tpu.memory_space<vmem>>) offsets(%dma_start3A_5 : memref<80xi32, #tpu.memory_space<vmem>>) semaphore(%arg12 : memref<!tpu.dma_semaphore, #tpu.memory_space<semaphore_mem>>)
    %scan3A = arith.constant 0 : i32
    %scan3A_9 = arith.constant 0 : i32
    %scan3A_10 = arith.constant 62 : i32
    %scan3A_11 = arith.addi %scan3A_9, %scan3A_10 : i32
    %scan3A_12 = arith.constant 1 : i32
    scf.for %scan3A_22 = %scan3A_9 to %scan3A_11 step %scan3A_12  : i32 {
      %mul3A_23 = arith.constant 2 : i32
      %mul3A_24 = arith.muli %mul3A_23, %scan3A_22 : i32
      %add3A_25 = arith.constant 1 : i32
      %add3A_26 = arith.addi %mul3A_24, %add3A_25 : i32
      %mul3A_27 = arith.constant 80 : i32
      %mul3A_28 = arith.muli %add3A_26, %mul3A_27 : i32
      %dma_start3A_29 = tpu.memref_slice %arg8[%mul3A_28] : memref<10000xi32, #tpu.memory_space<vmem>> -> memref<80xi32, #tpu.memory_space<vmem>>
      %dma_start3A_30 = arith.constant 0 : i32
      %dma_start3A_31 = arith.constant 0 : i32
      %dma_start3A_32 = tpu.memref_slice %arg2[%dma_start3A_30, %dma_start3A_31] : memref<10240x128xf32, #tpu.memory_space<hbm>> -> memref<10240x128xf32, #tpu.memory_space<hbm>>
      tpu.enqueue_indirect_dma source(%dma_start3A_32 : memref<10240x128xf32, #tpu.memory_space<hbm>>) target(%arg11 : memref<80x128xf32, #tpu.memory_space<vmem>>) offsets(%dma_start3A_29 : memref<80xi32, #tpu.memory_space<vmem>>) semaphore(%arg13 : memref<!tpu.dma_semaphore, #tpu.memory_space<semaphore_mem>>)
      %mul3A_33 = arith.constant 80 : i32
      %mul3A_34 = arith.muli %mul3A_24, %mul3A_33 : i32
      %dma_wait3A_35 = tpu.memref_slice %arg8[%mul3A_34] : memref<10000xi32, #tpu.memory_space<vmem>> -> memref<80xi32, #tpu.memory_space<vmem>>
      %dma_wait3A_36 = arith.constant 0 : i32
      %dma_wait3A_37 = arith.constant 0 : i32
      %dma_wait3A_38 = tpu.memref_slice %arg2[%dma_wait3A_36, %dma_wait3A_37] : memref<10240x128xf32, #tpu.memory_space<hbm>> -> memref<10240x128xf32, #tpu.memory_space<hbm>>
      tpu.wait_indirect_dma semaphore(%arg12 : memref<!tpu.dma_semaphore, #tpu.memory_space<semaphore_mem>>) src(%dma_wait3A_38 : memref<10240x128xf32, #tpu.memory_space<hbm>>) dst(%arg10 : memref<80x128xf32, #tpu.memory_space<vmem>>)
      "tpu.region"() ({
        %run_scoped3A_57 = tpu.sem_alloc : memref<!tpu.dma_semaphore, #tpu.memory_space<semaphore_mem>>
        %dma_start3A_58 = arith.constant 0 : i32
        %dma_start3A_59 = tpu.memref_slice %arg9[%mul3A_24, %dma_start3A_58] : memref<125x80xi32, #tpu.memory_space<vmem>> -> memref<1x80xi32, #tpu.memory_space<vmem>>
        %dma_start3A_60 = tpu.memref_squeeze %dma_start3A_59 : memref<1x80xi32, #tpu.memory_space<vmem>> -> memref<80xi32, #tpu.memory_space<vmem>>
        %dma_start3A_61 = arith.constant 0 : i32
        %dma_start3A_62 = arith.constant 0 : i32
        %dma_start3A_63 = tpu.memref_slice %arg7[%dma_start3A_61, %dma_start3A_62] : memref<10240x128xf32, #tpu.memory_space<vmem_shared>> -> memref<10240x128xf32, #tpu.memory_space<vmem_shared>>
        tpu.enqueue_indirect_dma source(%arg10 : memref<80x128xf32, #tpu.memory_space<vmem>>) target(%dma_start3A_63 : memref<10240x128xf32, #tpu.memory_space<vmem_shared>>) offsets(%dma_start3A_60 : memref<80xi32, #tpu.memory_space<vmem>>) semaphore(%run_scoped3A_57 : memref<!tpu.dma_semaphore, #tpu.memory_space<semaphore_mem>>) {add = true}
        %dma_wait3A_64 = arith.constant 0 : i32
        %dma_wait3A_65 = tpu.memref_slice %arg9[%mul3A_24, %dma_wait3A_64] : memref<125x80xi32, #tpu.memory_space<vmem>> -> memref<1x80xi32, #tpu.memory_space<vmem>>
        %dma_wait3A_66 = tpu.memref_squeeze %dma_wait3A_65 : memref<1x80xi32, #tpu.memory_space<vmem>> -> memref<80xi32, #tpu.memory_space<vmem>>
        %dma_wait3A_67 = arith.constant 0 : i32
        %dma_wait3A_68 = arith.constant 0 : i32
        %dma_wait3A_69 = tpu.memref_slice %arg7[%dma_wait3A_67, %dma_wait3A_68] : memref<10240x128xf32, #tpu.memory_space<vmem_shared>> -> memref<10240x128xf32, #tpu.memory_space<vmem_shared>>
        tpu.wait_indirect_dma semaphore(%run_scoped3A_57 : memref<!tpu.dma_semaphore, #tpu.memory_space<semaphore_mem>>) src(%arg10 : memref<80x128xf32, #tpu.memory_space<vmem>>) dst(%dma_wait3A_69 : memref<10240x128xf32, #tpu.memory_space<vmem_shared>>)
        tpu.yield
      }) : () -> ()
      %add3A_39 = arith.constant 2 : i32
      %add3A_40 = arith.addi %mul3A_24, %add3A_39 : i32
      %mul3A_41 = arith.constant 80 : i32
      %mul3A_42 = arith.muli %add3A_40, %mul3A_41 : i32
      %dma_start3A_43 = tpu.memref_slice %arg8[%mul3A_42] : memref<10000xi32, #tpu.memory_space<vmem>> -> memref<80xi32, #tpu.memory_space<vmem>>
      %dma_start3A_44 = arith.constant 0 : i32
      %dma_start3A_45 = arith.constant 0 : i32
      %dma_start3A_46 = tpu.memref_slice %arg2[%dma_start3A_44, %dma_start3A_45] : memref<10240x128xf32, #tpu.memory_space<hbm>> -> memref<10240x128xf32, #tpu.memory_space<hbm>>
      tpu.enqueue_indirect_dma source(%dma_start3A_46 : memref<10240x128xf32, #tpu.memory_space<hbm>>) target(%arg10 : memref<80x128xf32, #tpu.memory_space<vmem>>) offsets(%dma_start3A_43 : memref<80xi32, #tpu.memory_space<vmem>>) semaphore(%arg12 : memref<!tpu.dma_semaphore, #tpu.memory_space<semaphore_mem>>)
      %add3A_47 = arith.constant 1 : i32
      %add3A_48 = arith.addi %mul3A_24, %add3A_47 : i32
      %mul3A_49 = arith.constant 80 : i32
      %mul3A_50 = arith.muli %add3A_48, %mul3A_49 : i32
      %dma_wait3A_51 = tpu.memref_slice %arg8[%mul3A_50] : memref<10000xi32, #tpu.memory_space<vmem>> -> memref<80xi32, #tpu.memory_space<vmem>>
      %dma_wait3A_52 = arith.constant 0 : i32
      %dma_wait3A_53 = arith.constant 0 : i32
      %dma_wait3A_54 = tpu.memref_slice %arg2[%dma_wait3A_52, %dma_wait3A_53] : memref<10240x128xf32, #tpu.memory_space<hbm>> -> memref<10240x128xf32, #tpu.memory_space<hbm>>
      tpu.wait_indirect_dma semaphore(%arg13 : memref<!tpu.dma_semaphore, #tpu.memory_space<semaphore_mem>>) src(%dma_wait3A_54 : memref<10240x128xf32, #tpu.memory_space<hbm>>) dst(%arg11 : memref<80x128xf32, #tpu.memory_space<vmem>>)
      %add3A_55 = arith.constant 1 : i32
      %add3A_56 = arith.addi %mul3A_24, %add3A_55 : i32
      "tpu.region"() ({
        %run_scoped3A_57 = tpu.sem_alloc : memref<!tpu.dma_semaphore, #tpu.memory_space<semaphore_mem>>
        %dma_start3A_58 = arith.constant 0 : i32
        %dma_start3A_59 = tpu.memref_slice %arg9[%add3A_56, %dma_start3A_58] : memref<125x80xi32, #tpu.memory_space<vmem>> -> memref<1x80xi32, #tpu.memory_space<vmem>>
        %dma_start3A_60 = tpu.memref_squeeze %dma_start3A_59 : memref<1x80xi32, #tpu.memory_space<vmem>> -> memref<80xi32, #tpu.memory_space<vmem>>
        %dma_start3A_61 = arith.constant 0 : i32
        %dma_start3A_62 = arith.constant 0 : i32
        %dma_start3A_63 = tpu.memref_slice %arg7[%dma_start3A_61, %dma_start3A_62] : memref<10240x128xf32, #tpu.memory_space<vmem_shared>> -> memref<10240x128xf32, #tpu.memory_space<vmem_shared>>
        tpu.enqueue_indirect_dma source(%arg11 : memref<80x128xf32, #tpu.memory_space<vmem>>) target(%dma_start3A_63 : memref<10240x128xf32, #tpu.memory_space<vmem_shared>>) offsets(%dma_start3A_60 : memref<80xi32, #tpu.memory_space<vmem>>) semaphore(%run_scoped3A_57 : memref<!tpu.dma_semaphore, #tpu.memory_space<semaphore_mem>>) {add = true}
        %dma_wait3A_64 = arith.constant 0 : i32
        %dma_wait3A_65 = tpu.memref_slice %arg9[%add3A_56, %dma_wait3A_64] : memref<125x80xi32, #tpu.memory_space<vmem>> -> memref<1x80xi32, #tpu.memory_space<vmem>>
        %dma_wait3A_66 = tpu.memref_squeeze %dma_wait3A_65 : memref<1x80xi32, #tpu.memory_space<vmem>> -> memref<80xi32, #tpu.memory_space<vmem>>
        %dma_wait3A_67 = arith.constant 0 : i32
        %dma_wait3A_68 = arith.constant 0 : i32
        %dma_wait3A_69 = tpu.memref_slice %arg7[%dma_wait3A_67, %dma_wait3A_68] : memref<10240x128xf32, #tpu.memory_space<vmem_shared>> -> memref<10240x128xf32, #tpu.memory_space<vmem_shared>>
        tpu.wait_indirect_dma semaphore(%run_scoped3A_57 : memref<!tpu.dma_semaphore, #tpu.memory_space<semaphore_mem>>) src(%arg11 : memref<80x128xf32, #tpu.memory_space<vmem>>) dst(%dma_wait3A_69 : memref<10240x128xf32, #tpu.memory_space<vmem_shared>>)
        tpu.yield
      }) : () -> ()
    }
    %scan3A_13 = arith.constant 62 : i32
    %dma_wait3A = arith.constant 9920 : i32
    %dma_wait3A_14 = tpu.memref_slice %arg8[%dma_wait3A] : memref<10000xi32, #tpu.memory_space<vmem>> -> memref<80xi32, #tpu.memory_space<vmem>>
    %dma_wait3A_15 = arith.constant 0 : i32
    %dma_wait3A_16 = arith.constant 0 : i32
    %dma_wait3A_17 = tpu.memref_slice %arg2[%dma_wait3A_15, %dma_wait3A_16] : memref<10240x128xf32, #tpu.memory_space<hbm>> -> memref<10240x128xf32, #tpu.memory_space<hbm>>
    tpu.wait_indirect_dma semaphore(%arg12 : memref<!tpu.dma_semaphore, #tpu.memory_space<semaphore_mem>>) src(%dma_wait3A_17 : memref<10240x128xf32, #tpu.memory_space<hbm>>) dst(%arg10 : memref<80x128xf32, #tpu.memory_space<vmem>>)
    %run_scoped3A = arith.constant 124 : i32
    "tpu.region"() ({
      %run_scoped3A_22 = tpu.sem_alloc : memref<!tpu.dma_semaphore, #tpu.memory_space<semaphore_mem>>
      %dma_start3A_23 = arith.constant 0 : i32
      %dma_start3A_24 = tpu.memref_slice %arg9[%run_scoped3A, %dma_start3A_23] : memref<125x80xi32, #tpu.memory_space<vmem>> -> memref<1x80xi32, #tpu.memory_space<vmem>>
      %dma_start3A_25 = tpu.memref_squeeze %dma_start3A_24 : memref<1x80xi32, #tpu.memory_space<vmem>> -> memref<80xi32, #tpu.memory_space<vmem>>
      %dma_start3A_26 = arith.constant 0 : i32
      %dma_start3A_27 = arith.constant 0 : i32
      %dma_start3A_28 = tpu.memref_slice %arg7[%dma_start3A_26, %dma_start3A_27] : memref<10240x128xf32, #tpu.memory_space<vmem_shared>> -> memref<10240x128xf32, #tpu.memory_space<vmem_shared>>
      tpu.enqueue_indirect_dma source(%arg10 : memref<80x128xf32, #tpu.memory_space<vmem>>) target(%dma_start3A_28 : memref<10240x128xf32, #tpu.memory_space<vmem_shared>>) offsets(%dma_start3A_25 : memref<80xi32, #tpu.memory_space<vmem>>) semaphore(%run_scoped3A_22 : memref<!tpu.dma_semaphore, #tpu.memory_space<semaphore_mem>>) {add = true}
      %dma_wait3A_29 = arith.constant 0 : i32
      %dma_wait3A_30 = tpu.memref_slice %arg9[%run_scoped3A, %dma_wait3A_29] : memref<125x80xi32, #tpu.memory_space<vmem>> -> memref<1x80xi32, #tpu.memory_space<vmem>>
      %dma_wait3A_31 = tpu.memref_squeeze %dma_wait3A_30 : memref<1x80xi32, #tpu.memory_space<vmem>> -> memref<80xi32, #tpu.memory_space<vmem>>
      %dma_wait3A_32 = arith.constant 0 : i32
      %dma_wait3A_33 = arith.constant 0 : i32
      %dma_wait3A_34 = tpu.memref_slice %arg7[%dma_wait3A_32, %dma_wait3A_33] : memref<10240x128xf32, #tpu.memory_space<vmem_shared>> -> memref<10240x128xf32, #tpu.memory_space<vmem_shared>>
      tpu.wait_indirect_dma semaphore(%run_scoped3A_22 : memref<!tpu.dma_semaphore, #tpu.memory_space<semaphore_mem>>) src(%arg10 : memref<80x128xf32, #tpu.memory_space<vmem>>) dst(%dma_wait3A_34 : memref<10240x128xf32, #tpu.memory_space<vmem_shared>>)
      tpu.yield
    }) : () -> ()
    %barrier3A_18 = arith.constant 0 : index
    tpu.barrier barrier_id(%barrier3A_18)
    %mul3A_19 = arith.constant 10240 : i32
    %mul3A_20 = arith.muli %arg0, %mul3A_19 : i32
    %add3A_21 = arith.addi %mul3A_20, %mul3A_2 : i32
    "tpu.region"() ({
      %run_scoped3A_22 = tpu.sem_alloc : memref<!tpu.dma_semaphore, #tpu.memory_space<semaphore_mem>>
      %dma_start3A_23 = arith.constant 0 : i32
      %dma_start3A_24 = tpu.memref_slice %arg6[%add3A_21, %dma_start3A_23] : memref<20480x128xf32, #tpu.memory_space<hbm>> -> memref<640x128xf32, #tpu.memory_space<hbm>>
      %dma_start3A_25 = arith.constant 0 : i32
      %dma_start3A_26 = tpu.memref_slice %arg7[%mul3A_2, %dma_start3A_25] : memref<10240x128xf32, #tpu.memory_space<vmem_shared>> -> memref<640x128xf32, #tpu.memory_space<vmem_shared>>
      tpu.enqueue_dma source(%dma_start3A_26 : memref<640x128xf32, #tpu.memory_space<vmem_shared>>) target(%dma_start3A_24 : memref<640x128xf32, #tpu.memory_space<hbm>>) target_semaphore(%run_scoped3A_22 : memref<!tpu.dma_semaphore, #tpu.memory_space<semaphore_mem>>)
      %dma_wait3A_27 = arith.constant 0 : i32
      %dma_wait3A_28 = tpu.memref_slice %arg6[%add3A_21, %dma_wait3A_27] : memref<20480x128xf32, #tpu.memory_space<hbm>> -> memref<640x128xf32, #tpu.memory_space<hbm>>
      %dma_wait3A_29 = arith.constant 0 : i32
      %dma_wait3A_30 = tpu.memref_slice %arg7[%mul3A_2, %dma_wait3A_29] : memref<10240x128xf32, #tpu.memory_space<vmem_shared>> -> memref<640x128xf32, #tpu.memory_space<vmem_shared>>
      tpu.wait_dma2 semaphore(%run_scoped3A_22 : memref<!tpu.dma_semaphore, #tpu.memory_space<semaphore_mem>>) src(%dma_wait3A_30 : memref<640x128xf32, #tpu.memory_space<vmem_shared>>) dst(%dma_wait3A_28 : memref<640x128xf32, #tpu.memory_space<hbm>>)
      tpu.yield
    }) : () -> ()
    return
  }
}

#map = affine_map<(d0, d1) -> (0, 0)>
#map1 = affine_map<(d0, d1) -> (0, 0, 0)>
#map2 = affine_map<(d0, d1) -> (0)>
module attributes {stable_mosaic.version = 14 : i64} {
  func.func @_sc_pre_body(%arg0: i32, %arg1: i32, %arg2: memref<320000x128xf32, #tpu.memory_space<hbm>>, %arg3: memref<32x125x80xi32, #tpu.memory_space<hbm>>, %arg4: memref<10000x128xf32, #tpu.memory_space<hbm>>, %arg5: memref<16xi32, #tpu.memory_space<hbm>>, %arg6: memref<10240x128xf32, #tpu.memory_space<hbm>>, %arg7: memref<80x128xf32, #tpu.memory_space<hbm>>, %arg8: memref<320000xi32, #tpu.memory_space<hbm>>, %arg9: memref<20480x128xf32, #tpu.memory_space<hbm>>, %arg10: memref<20480x128xf32, #tpu.memory_space<hbm>>, %arg11: memref<20480x128xf32, #tpu.memory_space<hbm>>, %arg12: memref<16x128xf32, #tpu.memory_space<hbm>>, %arg13: memref<10240x128xf32, #tpu.memory_space<vmem_shared>>, %arg14: memref<125x80xi32, #tpu.memory_space<vmem>>, %arg15: memref<10000xi32, #tpu.memory_space<vmem>>, %arg16: memref<80x128xf32, #tpu.memory_space<vmem>>, %arg17: memref<80x128xf32, #tpu.memory_space<vmem>>, %arg18: memref<16xi32, #tpu.memory_space<vmem>>, %arg19: memref<16x128xf32, #tpu.memory_space<vmem>>, %arg20: memref<!tpu.dma_semaphore, #tpu.memory_space<semaphore_mem>>, %arg21: memref<!tpu.dma_semaphore, #tpu.memory_space<semaphore_mem>>) attributes {dimension_semantics = [#tpu.dimension_semantics<core_parallel>, #tpu.dimension_semantics<subcore_parallel>], iteration_bounds = array<i64: 2, 16>, scalar_prefetch = 0 : i64, scratch_operands = 9 : i64, tpu.core_type = #tpu.core_type<sc_vector_subcore>, window_params = [{transform_indices = #map}, {transform_indices = #map1}, {transform_indices = #map}, {transform_indices = #map2}, {transform_indices = #map}, {transform_indices = #map}, {transform_indices = #map2}, {transform_indices = #map}, {transform_indices = #map}, {transform_indices = #map}, {transform_indices = #map}]} {
    %mul3A = arith.constant 16 : i32
    %mul3A_0 = arith.muli %arg0, %mul3A : i32
    %add3A = arith.addi %mul3A_0, %arg1 : i32
    %mul3A_1 = arith.constant 640 : i32
    %mul3A_2 = arith.muli %arg1, %mul3A_1 : i32
    %eq3A = arith.constant 0 : i32
    %eq3A_3 = arith.cmpi eq, %arg0, %eq3A : i32
    %eq3A_4 = arith.constant 0 : i32
    %eq3A_5 = arith.cmpi eq, %arg1, %eq3A_4 : i32
    %and3A = arith.andi %eq3A_3, %eq3A_5 : i1
    %convert_element_type3A = arith.extui %and3A : i1 to i32
    %cond3A = arith.constant 0 : i32
    %cond3A_6 = arith.cmpi ne, %convert_element_type3A, %cond3A : i32
    scf.if %cond3A_6 {
      "tpu.region"() ({
        %run_scoped3A_73 = tpu.sem_alloc : memref<!tpu.dma_semaphore, #tpu.memory_space<semaphore_mem>>
        tpu.enqueue_dma source(%arg5 : memref<16xi32, #tpu.memory_space<hbm>>) target(%arg18 : memref<16xi32, #tpu.memory_space<vmem>>) target_semaphore(%run_scoped3A_73 : memref<!tpu.dma_semaphore, #tpu.memory_space<semaphore_mem>>)
        tpu.wait_dma2 semaphore(%run_scoped3A_73 : memref<!tpu.dma_semaphore, #tpu.memory_space<semaphore_mem>>) src(%arg5 : memref<16xi32, #tpu.memory_space<hbm>>) dst(%arg18 : memref<16xi32, #tpu.memory_space<vmem>>)
        tpu.yield
      }) : () -> ()
      %dma_start3A_67 = arith.constant 0 : i32
      %dma_start3A_68 = arith.constant 0 : i32
      %dma_start3A_69 = tpu.memref_slice %arg4[%dma_start3A_67, %dma_start3A_68] : memref<10000x128xf32, #tpu.memory_space<hbm>> -> memref<10000x128xf32, #tpu.memory_space<hbm>>
      tpu.enqueue_indirect_dma source(%dma_start3A_69 : memref<10000x128xf32, #tpu.memory_space<hbm>>) target(%arg19 : memref<16x128xf32, #tpu.memory_space<vmem>>) offsets(%arg18 : memref<16xi32, #tpu.memory_space<vmem>>) semaphore(%arg20 : memref<!tpu.dma_semaphore, #tpu.memory_space<semaphore_mem>>)
      %dma_wait3A_70 = arith.constant 0 : i32
      %dma_wait3A_71 = arith.constant 0 : i32
      %dma_wait3A_72 = tpu.memref_slice %arg4[%dma_wait3A_70, %dma_wait3A_71] : memref<10000x128xf32, #tpu.memory_space<hbm>> -> memref<10000x128xf32, #tpu.memory_space<hbm>>
      tpu.wait_indirect_dma semaphore(%arg20 : memref<!tpu.dma_semaphore, #tpu.memory_space<semaphore_mem>>) src(%dma_wait3A_72 : memref<10000x128xf32, #tpu.memory_space<hbm>>) dst(%arg19 : memref<16x128xf32, #tpu.memory_space<vmem>>)
      "tpu.region"() ({
        %run_scoped3A_73 = tpu.sem_alloc : memref<!tpu.dma_semaphore, #tpu.memory_space<semaphore_mem>>
        tpu.enqueue_dma source(%arg19 : memref<16x128xf32, #tpu.memory_space<vmem>>) target(%arg12 : memref<16x128xf32, #tpu.memory_space<hbm>>) target_semaphore(%run_scoped3A_73 : memref<!tpu.dma_semaphore, #tpu.memory_space<semaphore_mem>>)
        tpu.wait_dma2 semaphore(%run_scoped3A_73 : memref<!tpu.dma_semaphore, #tpu.memory_space<semaphore_mem>>) src(%arg19 : memref<16x128xf32, #tpu.memory_space<vmem>>) dst(%arg12 : memref<16x128xf32, #tpu.memory_space<hbm>>)
        tpu.yield
      }) : () -> ()
    } else {
    }
    "tpu.region"() ({
      %run_scoped3A_67 = tpu.sem_alloc : memref<!tpu.dma_semaphore, #tpu.memory_space<semaphore_mem>>
      %dma_start3A_68 = arith.constant 0 : i32
      %dma_start3A_69 = arith.constant 0 : i32
      %dma_start3A_70 = tpu.memref_slice %arg3[%add3A, %dma_start3A_68, %dma_start3A_69] : memref<32x125x80xi32, #tpu.memory_space<hbm>> -> memref<1x125x80xi32, #tpu.memory_space<hbm>>
      %dma_start3A_71 = tpu.memref_squeeze %dma_start3A_70 : memref<1x125x80xi32, #tpu.memory_space<hbm>> -> memref<125x80xi32, #tpu.memory_space<hbm>>
      %dma_start3A_72 = arith.constant 0 : i32
      %dma_start3A_73 = arith.constant 0 : i32
      %dma_start3A_74 = tpu.memref_slice %arg3[%add3A, %dma_start3A_72, %dma_start3A_73] : memref<32x125x80xi32, #tpu.memory_space<hbm>> -> memref<1x125x80xi32, #tpu.memory_space<hbm>>
      %dma_start3A_75 = tpu.memref_squeeze %dma_start3A_74 : memref<1x125x80xi32, #tpu.memory_space<hbm>> -> memref<125x80xi32, #tpu.memory_space<hbm>>
      tpu.enqueue_dma source(%dma_start3A_75 : memref<125x80xi32, #tpu.memory_space<hbm>>) target(%arg14 : memref<125x80xi32, #tpu.memory_space<vmem>>) target_semaphore(%run_scoped3A_67 : memref<!tpu.dma_semaphore, #tpu.memory_space<semaphore_mem>>)
      %dma_wait3A_76 = arith.constant 0 : i32
      %dma_wait3A_77 = arith.constant 0 : i32
      %dma_wait3A_78 = tpu.memref_slice %arg3[%add3A, %dma_wait3A_76, %dma_wait3A_77] : memref<32x125x80xi32, #tpu.memory_space<hbm>> -> memref<1x125x80xi32, #tpu.memory_space<hbm>>
      %dma_wait3A_79 = tpu.memref_squeeze %dma_wait3A_78 : memref<1x125x80xi32, #tpu.memory_space<hbm>> -> memref<125x80xi32, #tpu.memory_space<hbm>>
      %dma_wait3A_80 = arith.constant 0 : i32
      %dma_wait3A_81 = arith.constant 0 : i32
      %dma_wait3A_82 = tpu.memref_slice %arg3[%add3A, %dma_wait3A_80, %dma_wait3A_81] : memref<32x125x80xi32, #tpu.memory_space<hbm>> -> memref<1x125x80xi32, #tpu.memory_space<hbm>>
      %dma_wait3A_83 = tpu.memref_squeeze %dma_wait3A_82 : memref<1x125x80xi32, #tpu.memory_space<hbm>> -> memref<125x80xi32, #tpu.memory_space<hbm>>
      tpu.wait_dma2 semaphore(%run_scoped3A_67 : memref<!tpu.dma_semaphore, #tpu.memory_space<semaphore_mem>>) src(%dma_wait3A_83 : memref<125x80xi32, #tpu.memory_space<hbm>>) dst(%arg14 : memref<125x80xi32, #tpu.memory_space<vmem>>)
      tpu.yield
    }) : () -> ()
    %mul3A_7 = arith.constant 10000 : i32
    %mul3A_8 = arith.muli %add3A, %mul3A_7 : i32
    "tpu.region"() ({
      %run_scoped3A_67 = tpu.sem_alloc : memref<!tpu.dma_semaphore, #tpu.memory_space<semaphore_mem>>
      %dma_start3A_68 = tpu.memref_slice %arg8[%mul3A_8] : memref<320000xi32, #tpu.memory_space<hbm>> -> memref<10000xi32, #tpu.memory_space<hbm>>
      %dma_start3A_69 = tpu.memref_slice %arg8[%mul3A_8] : memref<320000xi32, #tpu.memory_space<hbm>> -> memref<10000xi32, #tpu.memory_space<hbm>>
      tpu.enqueue_dma source(%dma_start3A_69 : memref<10000xi32, #tpu.memory_space<hbm>>) target(%arg15 : memref<10000xi32, #tpu.memory_space<vmem>>) target_semaphore(%run_scoped3A_67 : memref<!tpu.dma_semaphore, #tpu.memory_space<semaphore_mem>>)
      %dma_wait3A_70 = tpu.memref_slice %arg8[%mul3A_8] : memref<320000xi32, #tpu.memory_space<hbm>> -> memref<10000xi32, #tpu.memory_space<hbm>>
      %dma_wait3A_71 = tpu.memref_slice %arg8[%mul3A_8] : memref<320000xi32, #tpu.memory_space<hbm>> -> memref<10000xi32, #tpu.memory_space<hbm>>
      tpu.wait_dma2 semaphore(%run_scoped3A_67 : memref<!tpu.dma_semaphore, #tpu.memory_space<semaphore_mem>>) src(%dma_wait3A_71 : memref<10000xi32, #tpu.memory_space<hbm>>) dst(%arg15 : memref<10000xi32, #tpu.memory_space<vmem>>)
      tpu.yield
    }) : () -> ()
    "tpu.region"() ({
      %run_scoped3A_67 = tpu.sem_alloc : memref<!tpu.dma_semaphore, #tpu.memory_space<semaphore_mem>>
      %dma_start3A_68 = arith.constant 0 : i32
      %dma_start3A_69 = tpu.memref_slice %arg13[%mul3A_2, %dma_start3A_68] : memref<10240x128xf32, #tpu.memory_space<vmem_shared>> -> memref<640x128xf32, #tpu.memory_space<vmem_shared>>
      %dma_start3A_70 = arith.constant 0 : i32
      %dma_start3A_71 = tpu.memref_slice %arg6[%mul3A_2, %dma_start3A_70] : memref<10240x128xf32, #tpu.memory_space<hbm>> -> memref<640x128xf32, #tpu.memory_space<hbm>>
      tpu.enqueue_dma source(%dma_start3A_71 : memref<640x128xf32, #tpu.memory_space<hbm>>) target(%dma_start3A_69 : memref<640x128xf32, #tpu.memory_space<vmem_shared>>) target_semaphore(%run_scoped3A_67 : memref<!tpu.dma_semaphore, #tpu.memory_space<semaphore_mem>>)
      %dma_wait3A_72 = arith.constant 0 : i32
      %dma_wait3A_73 = tpu.memref_slice %arg13[%mul3A_2, %dma_wait3A_72] : memref<10240x128xf32, #tpu.memory_space<vmem_shared>> -> memref<640x128xf32, #tpu.memory_space<vmem_shared>>
      %dma_wait3A_74 = arith.constant 0 : i32
      %dma_wait3A_75 = tpu.memref_slice %arg6[%mul3A_2, %dma_wait3A_74] : memref<10240x128xf32, #tpu.memory_space<hbm>> -> memref<640x128xf32, #tpu.memory_space<hbm>>
      tpu.wait_dma2 semaphore(%run_scoped3A_67 : memref<!tpu.dma_semaphore, #tpu.memory_space<semaphore_mem>>) src(%dma_wait3A_75 : memref<640x128xf32, #tpu.memory_space<hbm>>) dst(%dma_wait3A_73 : memref<640x128xf32, #tpu.memory_space<vmem_shared>>)
      tpu.yield
    }) : () -> ()
    %barrier3A = arith.constant 0 : index
    tpu.barrier barrier_id(%barrier3A)
    %mul3A_9 = arith.constant 10000 : i32
    %mul3A_10 = arith.muli %add3A, %mul3A_9 : i32
    %add3A_11 = arith.constant 0 : i32
    %add3A_12 = arith.addi %mul3A_10, %add3A_11 : i32
    %dma_start3A = arith.constant 0 : i32
    %dma_start3A_13 = tpu.memref_slice %arg2[%add3A_12, %dma_start3A] : memref<320000x128xf32, #tpu.memory_space<hbm>> -> memref<80x128xf32, #tpu.memory_space<hbm>>
    %dma_start3A_14 = arith.constant 0 : i32
    %dma_start3A_15 = tpu.memref_slice %arg2[%add3A_12, %dma_start3A_14] : memref<320000x128xf32, #tpu.memory_space<hbm>> -> memref<80x128xf32, #tpu.memory_space<hbm>>
    tpu.enqueue_dma source(%dma_start3A_15 : memref<80x128xf32, #tpu.memory_space<hbm>>) target(%arg16 : memref<80x128xf32, #tpu.memory_space<vmem>>) target_semaphore(%arg20 : memref<!tpu.dma_semaphore, #tpu.memory_space<semaphore_mem>>)
    %scan3A = arith.constant 0 : i32
    %scan3A_16 = arith.constant 0 : i32
    %scan3A_17 = arith.constant 62 : i32
    %scan3A_18 = arith.addi %scan3A_16, %scan3A_17 : i32
    %scan3A_19 = arith.constant 1 : i32
    scf.for %scan3A_67 = %scan3A_16 to %scan3A_18 step %scan3A_19  : i32 {
      %mul3A_68 = arith.constant 2 : i32
      %mul3A_69 = arith.muli %mul3A_68, %scan3A_67 : i32
      %add3A_70 = arith.constant 1 : i32
      %add3A_71 = arith.addi %mul3A_69, %add3A_70 : i32
      %mul3A_72 = arith.constant 10000 : i32
      %mul3A_73 = arith.muli %add3A, %mul3A_72 : i32
      %mul3A_74 = arith.constant 80 : i32
      %mul3A_75 = arith.muli %add3A_71, %mul3A_74 : i32
      %add3A_76 = arith.addi %mul3A_73, %mul3A_75 : i32
      %dma_start3A_77 = arith.constant 0 : i32
      %dma_start3A_78 = tpu.memref_slice %arg2[%add3A_76, %dma_start3A_77] : memref<320000x128xf32, #tpu.memory_space<hbm>> -> memref<80x128xf32, #tpu.memory_space<hbm>>
      %dma_start3A_79 = arith.constant 0 : i32
      %dma_start3A_80 = tpu.memref_slice %arg2[%add3A_76, %dma_start3A_79] : memref<320000x128xf32, #tpu.memory_space<hbm>> -> memref<80x128xf32, #tpu.memory_space<hbm>>
      tpu.enqueue_dma source(%dma_start3A_80 : memref<80x128xf32, #tpu.memory_space<hbm>>) target(%arg17 : memref<80x128xf32, #tpu.memory_space<vmem>>) target_semaphore(%arg21 : memref<!tpu.dma_semaphore, #tpu.memory_space<semaphore_mem>>)
      %mul3A_81 = arith.constant 10000 : i32
      %mul3A_82 = arith.muli %add3A, %mul3A_81 : i32
      %mul3A_83 = arith.constant 80 : i32
      %mul3A_84 = arith.muli %mul3A_69, %mul3A_83 : i32
      %add3A_85 = arith.addi %mul3A_82, %mul3A_84 : i32
      %dma_wait3A_86 = arith.constant 0 : i32
      %dma_wait3A_87 = tpu.memref_slice %arg2[%add3A_85, %dma_wait3A_86] : memref<320000x128xf32, #tpu.memory_space<hbm>> -> memref<80x128xf32, #tpu.memory_space<hbm>>
      %dma_wait3A_88 = arith.constant 0 : i32
      %dma_wait3A_89 = tpu.memref_slice %arg2[%add3A_85, %dma_wait3A_88] : memref<320000x128xf32, #tpu.memory_space<hbm>> -> memref<80x128xf32, #tpu.memory_space<hbm>>
      tpu.wait_dma2 semaphore(%arg20 : memref<!tpu.dma_semaphore, #tpu.memory_space<semaphore_mem>>) src(%dma_wait3A_89 : memref<80x128xf32, #tpu.memory_space<hbm>>) dst(%arg16 : memref<80x128xf32, #tpu.memory_space<vmem>>)
      "tpu.region"() ({
        %run_scoped3A_114 = tpu.sem_alloc : memref<!tpu.dma_semaphore, #tpu.memory_space<semaphore_mem>>
        %dma_start3A_115 = arith.constant 0 : i32
        %dma_start3A_116 = tpu.memref_slice %arg14[%mul3A_69, %dma_start3A_115] : memref<125x80xi32, #tpu.memory_space<vmem>> -> memref<1x80xi32, #tpu.memory_space<vmem>>
        %dma_start3A_117 = tpu.memref_squeeze %dma_start3A_116 : memref<1x80xi32, #tpu.memory_space<vmem>> -> memref<80xi32, #tpu.memory_space<vmem>>
        %dma_start3A_118 = arith.constant 0 : i32
        %dma_start3A_119 = arith.constant 0 : i32
        %dma_start3A_120 = tpu.memref_slice %arg13[%dma_start3A_118, %dma_start3A_119] : memref<10240x128xf32, #tpu.memory_space<vmem_shared>> -> memref<10240x128xf32, #tpu.memory_space<vmem_shared>>
        tpu.enqueue_indirect_dma source(%arg16 : memref<80x128xf32, #tpu.memory_space<vmem>>) target(%dma_start3A_120 : memref<10240x128xf32, #tpu.memory_space<vmem_shared>>) offsets(%dma_start3A_117 : memref<80xi32, #tpu.memory_space<vmem>>) semaphore(%run_scoped3A_114 : memref<!tpu.dma_semaphore, #tpu.memory_space<semaphore_mem>>) {add = true}
        %dma_wait3A_121 = arith.constant 0 : i32
        %dma_wait3A_122 = tpu.memref_slice %arg14[%mul3A_69, %dma_wait3A_121] : memref<125x80xi32, #tpu.memory_space<vmem>> -> memref<1x80xi32, #tpu.memory_space<vmem>>
        %dma_wait3A_123 = tpu.memref_squeeze %dma_wait3A_122 : memref<1x80xi32, #tpu.memory_space<vmem>> -> memref<80xi32, #tpu.memory_space<vmem>>
        %dma_wait3A_124 = arith.constant 0 : i32
        %dma_wait3A_125 = arith.constant 0 : i32
        %dma_wait3A_126 = tpu.memref_slice %arg13[%dma_wait3A_124, %dma_wait3A_125] : memref<10240x128xf32, #tpu.memory_space<vmem_shared>> -> memref<10240x128xf32, #tpu.memory_space<vmem_shared>>
        tpu.wait_indirect_dma semaphore(%run_scoped3A_114 : memref<!tpu.dma_semaphore, #tpu.memory_space<semaphore_mem>>) src(%arg16 : memref<80x128xf32, #tpu.memory_space<vmem>>) dst(%dma_wait3A_126 : memref<10240x128xf32, #tpu.memory_space<vmem_shared>>)
        tpu.yield
      }) : () -> ()
      %add3A_90 = arith.constant 2 : i32
      %add3A_91 = arith.addi %mul3A_69, %add3A_90 : i32
      %mul3A_92 = arith.constant 10000 : i32
      %mul3A_93 = arith.muli %add3A, %mul3A_92 : i32
      %mul3A_94 = arith.constant 80 : i32
      %mul3A_95 = arith.muli %add3A_91, %mul3A_94 : i32
      %add3A_96 = arith.addi %mul3A_93, %mul3A_95 : i32
      %dma_start3A_97 = arith.constant 0 : i32
      %dma_start3A_98 = tpu.memref_slice %arg2[%add3A_96, %dma_start3A_97] : memref<320000x128xf32, #tpu.memory_space<hbm>> -> memref<80x128xf32, #tpu.memory_space<hbm>>
      %dma_start3A_99 = arith.constant 0 : i32
      %dma_start3A_100 = tpu.memref_slice %arg2[%add3A_96, %dma_start3A_99] : memref<320000x128xf32, #tpu.memory_space<hbm>> -> memref<80x128xf32, #tpu.memory_space<hbm>>
      tpu.enqueue_dma source(%dma_start3A_100 : memref<80x128xf32, #tpu.memory_space<hbm>>) target(%arg16 : memref<80x128xf32, #tpu.memory_space<vmem>>) target_semaphore(%arg20 : memref<!tpu.dma_semaphore, #tpu.memory_space<semaphore_mem>>)
      %add3A_101 = arith.constant 1 : i32
      %add3A_102 = arith.addi %mul3A_69, %add3A_101 : i32
      %mul3A_103 = arith.constant 10000 : i32
      %mul3A_104 = arith.muli %add3A, %mul3A_103 : i32
      %mul3A_105 = arith.constant 80 : i32
      %mul3A_106 = arith.muli %add3A_102, %mul3A_105 : i32
      %add3A_107 = arith.addi %mul3A_104, %mul3A_106 : i32
      %dma_wait3A_108 = arith.constant 0 : i32
      %dma_wait3A_109 = tpu.memref_slice %arg2[%add3A_107, %dma_wait3A_108] : memref<320000x128xf32, #tpu.memory_space<hbm>> -> memref<80x128xf32, #tpu.memory_space<hbm>>
      %dma_wait3A_110 = arith.constant 0 : i32
      %dma_wait3A_111 = tpu.memref_slice %arg2[%add3A_107, %dma_wait3A_110] : memref<320000x128xf32, #tpu.memory_space<hbm>> -> memref<80x128xf32, #tpu.memory_space<hbm>>
      tpu.wait_dma2 semaphore(%arg21 : memref<!tpu.dma_semaphore, #tpu.memory_space<semaphore_mem>>) src(%dma_wait3A_111 : memref<80x128xf32, #tpu.memory_space<hbm>>) dst(%arg17 : memref<80x128xf32, #tpu.memory_space<vmem>>)
      %add3A_112 = arith.constant 1 : i32
      %add3A_113 = arith.addi %mul3A_69, %add3A_112 : i32
      "tpu.region"() ({
        %run_scoped3A_114 = tpu.sem_alloc : memref<!tpu.dma_semaphore, #tpu.memory_space<semaphore_mem>>
        %dma_start3A_115 = arith.constant 0 : i32
        %dma_start3A_116 = tpu.memref_slice %arg14[%add3A_113, %dma_start3A_115] : memref<125x80xi32, #tpu.memory_space<vmem>> -> memref<1x80xi32, #tpu.memory_space<vmem>>
        %dma_start3A_117 = tpu.memref_squeeze %dma_start3A_116 : memref<1x80xi32, #tpu.memory_space<vmem>> -> memref<80xi32, #tpu.memory_space<vmem>>
        %dma_start3A_118 = arith.constant 0 : i32
        %dma_start3A_119 = arith.constant 0 : i32
        %dma_start3A_120 = tpu.memref_slice %arg13[%dma_start3A_118, %dma_start3A_119] : memref<10240x128xf32, #tpu.memory_space<vmem_shared>> -> memref<10240x128xf32, #tpu.memory_space<vmem_shared>>
        tpu.enqueue_indirect_dma source(%arg17 : memref<80x128xf32, #tpu.memory_space<vmem>>) target(%dma_start3A_120 : memref<10240x128xf32, #tpu.memory_space<vmem_shared>>) offsets(%dma_start3A_117 : memref<80xi32, #tpu.memory_space<vmem>>) semaphore(%run_scoped3A_114 : memref<!tpu.dma_semaphore, #tpu.memory_space<semaphore_mem>>) {add = true}
        %dma_wait3A_121 = arith.constant 0 : i32
        %dma_wait3A_122 = tpu.memref_slice %arg14[%add3A_113, %dma_wait3A_121] : memref<125x80xi32, #tpu.memory_space<vmem>> -> memref<1x80xi32, #tpu.memory_space<vmem>>
        %dma_wait3A_123 = tpu.memref_squeeze %dma_wait3A_122 : memref<1x80xi32, #tpu.memory_space<vmem>> -> memref<80xi32, #tpu.memory_space<vmem>>
        %dma_wait3A_124 = arith.constant 0 : i32
        %dma_wait3A_125 = arith.constant 0 : i32
        %dma_wait3A_126 = tpu.memref_slice %arg13[%dma_wait3A_124, %dma_wait3A_125] : memref<10240x128xf32, #tpu.memory_space<vmem_shared>> -> memref<10240x128xf32, #tpu.memory_space<vmem_shared>>
        tpu.wait_indirect_dma semaphore(%run_scoped3A_114 : memref<!tpu.dma_semaphore, #tpu.memory_space<semaphore_mem>>) src(%arg17 : memref<80x128xf32, #tpu.memory_space<vmem>>) dst(%dma_wait3A_126 : memref<10240x128xf32, #tpu.memory_space<vmem_shared>>)
        tpu.yield
      }) : () -> ()
    }
    %scan3A_20 = arith.constant 62 : i32
    %mul3A_21 = arith.constant 10000 : i32
    %mul3A_22 = arith.muli %add3A, %mul3A_21 : i32
    %add3A_23 = arith.constant 9920 : i32
    %add3A_24 = arith.addi %mul3A_22, %add3A_23 : i32
    %dma_wait3A = arith.constant 0 : i32
    %dma_wait3A_25 = tpu.memref_slice %arg2[%add3A_24, %dma_wait3A] : memref<320000x128xf32, #tpu.memory_space<hbm>> -> memref<80x128xf32, #tpu.memory_space<hbm>>
    %dma_wait3A_26 = arith.constant 0 : i32
    %dma_wait3A_27 = tpu.memref_slice %arg2[%add3A_24, %dma_wait3A_26] : memref<320000x128xf32, #tpu.memory_space<hbm>> -> memref<80x128xf32, #tpu.memory_space<hbm>>
    tpu.wait_dma2 semaphore(%arg20 : memref<!tpu.dma_semaphore, #tpu.memory_space<semaphore_mem>>) src(%dma_wait3A_27 : memref<80x128xf32, #tpu.memory_space<hbm>>) dst(%arg16 : memref<80x128xf32, #tpu.memory_space<vmem>>)
    %run_scoped3A = arith.constant 124 : i32
    "tpu.region"() ({
      %run_scoped3A_67 = tpu.sem_alloc : memref<!tpu.dma_semaphore, #tpu.memory_space<semaphore_mem>>
      %dma_start3A_68 = arith.constant 0 : i32
      %dma_start3A_69 = tpu.memref_slice %arg14[%run_scoped3A, %dma_start3A_68] : memref<125x80xi32, #tpu.memory_space<vmem>> -> memref<1x80xi32, #tpu.memory_space<vmem>>
      %dma_start3A_70 = tpu.memref_squeeze %dma_start3A_69 : memref<1x80xi32, #tpu.memory_space<vmem>> -> memref<80xi32, #tpu.memory_space<vmem>>
      %dma_start3A_71 = arith.constant 0 : i32
      %dma_start3A_72 = arith.constant 0 : i32
      %dma_start3A_73 = tpu.memref_slice %arg13[%dma_start3A_71, %dma_start3A_72] : memref<10240x128xf32, #tpu.memory_space<vmem_shared>> -> memref<10240x128xf32, #tpu.memory_space<vmem_shared>>
      tpu.enqueue_indirect_dma source(%arg16 : memref<80x128xf32, #tpu.memory_space<vmem>>) target(%dma_start3A_73 : memref<10240x128xf32, #tpu.memory_space<vmem_shared>>) offsets(%dma_start3A_70 : memref<80xi32, #tpu.memory_space<vmem>>) semaphore(%run_scoped3A_67 : memref<!tpu.dma_semaphore, #tpu.memory_space<semaphore_mem>>) {add = true}
      %dma_wait3A_74 = arith.constant 0 : i32
      %dma_wait3A_75 = tpu.memref_slice %arg14[%run_scoped3A, %dma_wait3A_74] : memref<125x80xi32, #tpu.memory_space<vmem>> -> memref<1x80xi32, #tpu.memory_space<vmem>>
      %dma_wait3A_76 = tpu.memref_squeeze %dma_wait3A_75 : memref<1x80xi32, #tpu.memory_space<vmem>> -> memref<80xi32, #tpu.memory_space<vmem>>
      %dma_wait3A_77 = arith.constant 0 : i32
      %dma_wait3A_78 = arith.constant 0 : i32
      %dma_wait3A_79 = tpu.memref_slice %arg13[%dma_wait3A_77, %dma_wait3A_78] : memref<10240x128xf32, #tpu.memory_space<vmem_shared>> -> memref<10240x128xf32, #tpu.memory_space<vmem_shared>>
      tpu.wait_indirect_dma semaphore(%run_scoped3A_67 : memref<!tpu.dma_semaphore, #tpu.memory_space<semaphore_mem>>) src(%arg16 : memref<80x128xf32, #tpu.memory_space<vmem>>) dst(%dma_wait3A_79 : memref<10240x128xf32, #tpu.memory_space<vmem_shared>>)
      tpu.yield
    }) : () -> ()
    %barrier3A_28 = arith.constant 0 : index
    tpu.barrier barrier_id(%barrier3A_28)
    %mul3A_29 = arith.constant 10240 : i32
    %mul3A_30 = arith.muli %arg0, %mul3A_29 : i32
    %add3A_31 = arith.addi %mul3A_30, %mul3A_2 : i32
    "tpu.region"() ({
      %run_scoped3A_67 = tpu.sem_alloc : memref<!tpu.dma_semaphore, #tpu.memory_space<semaphore_mem>>
      %dma_start3A_68 = arith.constant 0 : i32
      %dma_start3A_69 = tpu.memref_slice %arg9[%add3A_31, %dma_start3A_68] : memref<20480x128xf32, #tpu.memory_space<hbm>> -> memref<640x128xf32, #tpu.memory_space<hbm>>
      %dma_start3A_70 = arith.constant 0 : i32
      %dma_start3A_71 = tpu.memref_slice %arg13[%mul3A_2, %dma_start3A_70] : memref<10240x128xf32, #tpu.memory_space<vmem_shared>> -> memref<640x128xf32, #tpu.memory_space<vmem_shared>>
      tpu.enqueue_dma source(%dma_start3A_71 : memref<640x128xf32, #tpu.memory_space<vmem_shared>>) target(%dma_start3A_69 : memref<640x128xf32, #tpu.memory_space<hbm>>) target_semaphore(%run_scoped3A_67 : memref<!tpu.dma_semaphore, #tpu.memory_space<semaphore_mem>>)
      %dma_wait3A_72 = arith.constant 0 : i32
      %dma_wait3A_73 = tpu.memref_slice %arg9[%add3A_31, %dma_wait3A_72] : memref<20480x128xf32, #tpu.memory_space<hbm>> -> memref<640x128xf32, #tpu.memory_space<hbm>>
      %dma_wait3A_74 = arith.constant 0 : i32
      %dma_wait3A_75 = tpu.memref_slice %arg13[%mul3A_2, %dma_wait3A_74] : memref<10240x128xf32, #tpu.memory_space<vmem_shared>> -> memref<640x128xf32, #tpu.memory_space<vmem_shared>>
      tpu.wait_dma2 semaphore(%run_scoped3A_67 : memref<!tpu.dma_semaphore, #tpu.memory_space<semaphore_mem>>) src(%dma_wait3A_75 : memref<640x128xf32, #tpu.memory_space<vmem_shared>>) dst(%dma_wait3A_73 : memref<640x128xf32, #tpu.memory_space<hbm>>)
      tpu.yield
    }) : () -> ()
    %barrier3A_32 = arith.constant 0 : index
    tpu.barrier barrier_id(%barrier3A_32)
    "tpu.region"() ({
      %run_scoped3A_67 = tpu.sem_alloc : memref<!tpu.dma_semaphore, #tpu.memory_space<semaphore_mem>>
      %dma_start3A_68 = arith.constant 0 : i32
      %dma_start3A_69 = tpu.memref_slice %arg13[%mul3A_2, %dma_start3A_68] : memref<10240x128xf32, #tpu.memory_space<vmem_shared>> -> memref<640x128xf32, #tpu.memory_space<vmem_shared>>
      %dma_start3A_70 = arith.constant 0 : i32
      %dma_start3A_71 = tpu.memref_slice %arg6[%mul3A_2, %dma_start3A_70] : memref<10240x128xf32, #tpu.memory_space<hbm>> -> memref<640x128xf32, #tpu.memory_space<hbm>>
      tpu.enqueue_dma source(%dma_start3A_71 : memref<640x128xf32, #tpu.memory_space<hbm>>) target(%dma_start3A_69 : memref<640x128xf32, #tpu.memory_space<vmem_shared>>) target_semaphore(%run_scoped3A_67 : memref<!tpu.dma_semaphore, #tpu.memory_space<semaphore_mem>>)
      %dma_wait3A_72 = arith.constant 0 : i32
      %dma_wait3A_73 = tpu.memref_slice %arg13[%mul3A_2, %dma_wait3A_72] : memref<10240x128xf32, #tpu.memory_space<vmem_shared>> -> memref<640x128xf32, #tpu.memory_space<vmem_shared>>
      %dma_wait3A_74 = arith.constant 0 : i32
      %dma_wait3A_75 = tpu.memref_slice %arg6[%mul3A_2, %dma_wait3A_74] : memref<10240x128xf32, #tpu.memory_space<hbm>> -> memref<640x128xf32, #tpu.memory_space<hbm>>
      tpu.wait_dma2 semaphore(%run_scoped3A_67 : memref<!tpu.dma_semaphore, #tpu.memory_space<semaphore_mem>>) src(%dma_wait3A_75 : memref<640x128xf32, #tpu.memory_space<hbm>>) dst(%dma_wait3A_73 : memref<640x128xf32, #tpu.memory_space<vmem_shared>>)
      tpu.yield
    }) : () -> ()
    "tpu.region"() ({
      %run_scoped3A_67 = tpu.sem_alloc : memref<!tpu.dma_semaphore, #tpu.memory_space<semaphore_mem>>
      tpu.enqueue_dma source(%arg7 : memref<80x128xf32, #tpu.memory_space<hbm>>) target(%arg16 : memref<80x128xf32, #tpu.memory_space<vmem>>) target_semaphore(%run_scoped3A_67 : memref<!tpu.dma_semaphore, #tpu.memory_space<semaphore_mem>>)
      tpu.wait_dma2 semaphore(%run_scoped3A_67 : memref<!tpu.dma_semaphore, #tpu.memory_space<semaphore_mem>>) src(%arg7 : memref<80x128xf32, #tpu.memory_space<hbm>>) dst(%arg16 : memref<80x128xf32, #tpu.memory_space<vmem>>)
      tpu.yield
    }) : () -> ()
    %barrier3A_33 = arith.constant 0 : index
    tpu.barrier barrier_id(%barrier3A_33)
    %scan3A_34 = arith.constant 0 : i32
    %scan3A_35 = arith.constant 0 : i32
    %scan3A_36 = arith.constant 125 : i32
    %scan3A_37 = arith.addi %scan3A_35, %scan3A_36 : i32
    %scan3A_38 = arith.constant 1 : i32
    scf.for %scan3A_67 = %scan3A_35 to %scan3A_37 step %scan3A_38  : i32 {
      "tpu.region"() ({
        %run_scoped3A_68 = tpu.sem_alloc : memref<!tpu.dma_semaphore, #tpu.memory_space<semaphore_mem>>
        %dma_start3A_69 = arith.constant 0 : i32
        %dma_start3A_70 = tpu.memref_slice %arg14[%scan3A_67, %dma_start3A_69] : memref<125x80xi32, #tpu.memory_space<vmem>> -> memref<1x80xi32, #tpu.memory_space<vmem>>
        %dma_start3A_71 = tpu.memref_squeeze %dma_start3A_70 : memref<1x80xi32, #tpu.memory_space<vmem>> -> memref<80xi32, #tpu.memory_space<vmem>>
        %dma_start3A_72 = arith.constant 0 : i32
        %dma_start3A_73 = arith.constant 0 : i32
        %dma_start3A_74 = tpu.memref_slice %arg13[%dma_start3A_72, %dma_start3A_73] : memref<10240x128xf32, #tpu.memory_space<vmem_shared>> -> memref<10240x128xf32, #tpu.memory_space<vmem_shared>>
        tpu.enqueue_indirect_dma source(%arg16 : memref<80x128xf32, #tpu.memory_space<vmem>>) target(%dma_start3A_74 : memref<10240x128xf32, #tpu.memory_space<vmem_shared>>) offsets(%dma_start3A_71 : memref<80xi32, #tpu.memory_space<vmem>>) semaphore(%run_scoped3A_68 : memref<!tpu.dma_semaphore, #tpu.memory_space<semaphore_mem>>) {add = true}
        %dma_wait3A_75 = arith.constant 0 : i32
        %dma_wait3A_76 = tpu.memref_slice %arg14[%scan3A_67, %dma_wait3A_75] : memref<125x80xi32, #tpu.memory_space<vmem>> -> memref<1x80xi32, #tpu.memory_space<vmem>>
        %dma_wait3A_77 = tpu.memref_squeeze %dma_wait3A_76 : memref<1x80xi32, #tpu.memory_space<vmem>> -> memref<80xi32, #tpu.memory_space<vmem>>
        %dma_wait3A_78 = arith.constant 0 : i32
        %dma_wait3A_79 = arith.constant 0 : i32
        %dma_wait3A_80 = tpu.memref_slice %arg13[%dma_wait3A_78, %dma_wait3A_79] : memref<10240x128xf32, #tpu.memory_space<vmem_shared>> -> memref<10240x128xf32, #tpu.memory_space<vmem_shared>>
        tpu.wait_indirect_dma semaphore(%run_scoped3A_68 : memref<!tpu.dma_semaphore, #tpu.memory_space<semaphore_mem>>) src(%arg16 : memref<80x128xf32, #tpu.memory_space<vmem>>) dst(%dma_wait3A_80 : memref<10240x128xf32, #tpu.memory_space<vmem_shared>>)
        tpu.yield
      }) : () -> ()
    }
    %scan3A_39 = arith.constant 125 : i32
    %barrier3A_40 = arith.constant 0 : index
    tpu.barrier barrier_id(%barrier3A_40)
    %mul3A_41 = arith.constant 10240 : i32
    %mul3A_42 = arith.muli %arg0, %mul3A_41 : i32
    %add3A_43 = arith.addi %mul3A_42, %mul3A_2 : i32
    "tpu.region"() ({
      %run_scoped3A_67 = tpu.sem_alloc : memref<!tpu.dma_semaphore, #tpu.memory_space<semaphore_mem>>
      %dma_start3A_68 = arith.constant 0 : i32
      %dma_start3A_69 = tpu.memref_slice %arg10[%add3A_43, %dma_start3A_68] : memref<20480x128xf32, #tpu.memory_space<hbm>> -> memref<640x128xf32, #tpu.memory_space<hbm>>
      %dma_start3A_70 = arith.constant 0 : i32
      %dma_start3A_71 = tpu.memref_slice %arg13[%mul3A_2, %dma_start3A_70] : memref<10240x128xf32, #tpu.memory_space<vmem_shared>> -> memref<640x128xf32, #tpu.memory_space<vmem_shared>>
      tpu.enqueue_dma source(%dma_start3A_71 : memref<640x128xf32, #tpu.memory_space<vmem_shared>>) target(%dma_start3A_69 : memref<640x128xf32, #tpu.memory_space<hbm>>) target_semaphore(%run_scoped3A_67 : memref<!tpu.dma_semaphore, #tpu.memory_space<semaphore_mem>>)
      %dma_wait3A_72 = arith.constant 0 : i32
      %dma_wait3A_73 = tpu.memref_slice %arg10[%add3A_43, %dma_wait3A_72] : memref<20480x128xf32, #tpu.memory_space<hbm>> -> memref<640x128xf32, #tpu.memory_space<hbm>>
      %dma_wait3A_74 = arith.constant 0 : i32
      %dma_wait3A_75 = tpu.memref_slice %arg13[%mul3A_2, %dma_wait3A_74] : memref<10240x128xf32, #tpu.memory_space<vmem_shared>> -> memref<640x128xf32, #tpu.memory_space<vmem_shared>>
      tpu.wait_dma2 semaphore(%run_scoped3A_67 : memref<!tpu.dma_semaphore, #tpu.memory_space<semaphore_mem>>) src(%dma_wait3A_75 : memref<640x128xf32, #tpu.memory_space<vmem_shared>>) dst(%dma_wait3A_73 : memref<640x128xf32, #tpu.memory_space<hbm>>)
      tpu.yield
    }) : () -> ()
    %barrier3A_44 = arith.constant 0 : index
    tpu.barrier barrier_id(%barrier3A_44)
    "tpu.region"() ({
      %run_scoped3A_67 = tpu.sem_alloc : memref<!tpu.dma_semaphore, #tpu.memory_space<semaphore_mem>>
      %dma_start3A_68 = arith.constant 0 : i32
      %dma_start3A_69 = tpu.memref_slice %arg13[%mul3A_2, %dma_start3A_68] : memref<10240x128xf32, #tpu.memory_space<vmem_shared>> -> memref<640x128xf32, #tpu.memory_space<vmem_shared>>
      %dma_start3A_70 = arith.constant 0 : i32
      %dma_start3A_71 = tpu.memref_slice %arg6[%mul3A_2, %dma_start3A_70] : memref<10240x128xf32, #tpu.memory_space<hbm>> -> memref<640x128xf32, #tpu.memory_space<hbm>>
      tpu.enqueue_dma source(%dma_start3A_71 : memref<640x128xf32, #tpu.memory_space<hbm>>) target(%dma_start3A_69 : memref<640x128xf32, #tpu.memory_space<vmem_shared>>) target_semaphore(%run_scoped3A_67 : memref<!tpu.dma_semaphore, #tpu.memory_space<semaphore_mem>>)
      %dma_wait3A_72 = arith.constant 0 : i32
      %dma_wait3A_73 = tpu.memref_slice %arg13[%mul3A_2, %dma_wait3A_72] : memref<10240x128xf32, #tpu.memory_space<vmem_shared>> -> memref<640x128xf32, #tpu.memory_space<vmem_shared>>
      %dma_wait3A_74 = arith.constant 0 : i32
      %dma_wait3A_75 = tpu.memref_slice %arg6[%mul3A_2, %dma_wait3A_74] : memref<10240x128xf32, #tpu.memory_space<hbm>> -> memref<640x128xf32, #tpu.memory_space<hbm>>
      tpu.wait_dma2 semaphore(%run_scoped3A_67 : memref<!tpu.dma_semaphore, #tpu.memory_space<semaphore_mem>>) src(%dma_wait3A_75 : memref<640x128xf32, #tpu.memory_space<hbm>>) dst(%dma_wait3A_73 : memref<640x128xf32, #tpu.memory_space<vmem_shared>>)
      tpu.yield
    }) : () -> ()
    %barrier3A_45 = arith.constant 0 : index
    tpu.barrier barrier_id(%barrier3A_45)
    %dma_start3A_46 = arith.constant 0 : i32
    %dma_start3A_47 = tpu.memref_slice %arg15[%dma_start3A_46] : memref<10000xi32, #tpu.memory_space<vmem>> -> memref<80xi32, #tpu.memory_space<vmem>>
    %dma_start3A_48 = arith.constant 0 : i32
    %dma_start3A_49 = arith.constant 0 : i32
    %dma_start3A_50 = tpu.memref_slice %arg4[%dma_start3A_48, %dma_start3A_49] : memref<10000x128xf32, #tpu.memory_space<hbm>> -> memref<10000x128xf32, #tpu.memory_space<hbm>>
    tpu.enqueue_indirect_dma source(%dma_start3A_50 : memref<10000x128xf32, #tpu.memory_space<hbm>>) target(%arg16 : memref<80x128xf32, #tpu.memory_space<vmem>>) offsets(%dma_start3A_47 : memref<80xi32, #tpu.memory_space<vmem>>) semaphore(%arg20 : memref<!tpu.dma_semaphore, #tpu.memory_space<semaphore_mem>>)
    %scan3A_51 = arith.constant 0 : i32
    %scan3A_52 = arith.constant 0 : i32
    %scan3A_53 = arith.constant 62 : i32
    %scan3A_54 = arith.addi %scan3A_52, %scan3A_53 : i32
    %scan3A_55 = arith.constant 1 : i32
    scf.for %scan3A_67 = %scan3A_52 to %scan3A_54 step %scan3A_55  : i32 {
      %mul3A_68 = arith.constant 2 : i32
      %mul3A_69 = arith.muli %mul3A_68, %scan3A_67 : i32
      %add3A_70 = arith.constant 1 : i32
      %add3A_71 = arith.addi %mul3A_69, %add3A_70 : i32
      %mul3A_72 = arith.constant 80 : i32
      %mul3A_73 = arith.muli %add3A_71, %mul3A_72 : i32
      %dma_start3A_74 = tpu.memref_slice %arg15[%mul3A_73] : memref<10000xi32, #tpu.memory_space<vmem>> -> memref<80xi32, #tpu.memory_space<vmem>>
      %dma_start3A_75 = arith.constant 0 : i32
      %dma_start3A_76 = arith.constant 0 : i32
      %dma_start3A_77 = tpu.memref_slice %arg4[%dma_start3A_75, %dma_start3A_76] : memref<10000x128xf32, #tpu.memory_space<hbm>> -> memref<10000x128xf32, #tpu.memory_space<hbm>>
      tpu.enqueue_indirect_dma source(%dma_start3A_77 : memref<10000x128xf32, #tpu.memory_space<hbm>>) target(%arg17 : memref<80x128xf32, #tpu.memory_space<vmem>>) offsets(%dma_start3A_74 : memref<80xi32, #tpu.memory_space<vmem>>) semaphore(%arg21 : memref<!tpu.dma_semaphore, #tpu.memory_space<semaphore_mem>>)
      %mul3A_78 = arith.constant 80 : i32
      %mul3A_79 = arith.muli %mul3A_69, %mul3A_78 : i32
      %dma_wait3A_80 = tpu.memref_slice %arg15[%mul3A_79] : memref<10000xi32, #tpu.memory_space<vmem>> -> memref<80xi32, #tpu.memory_space<vmem>>
      %dma_wait3A_81 = arith.constant 0 : i32
      %dma_wait3A_82 = arith.constant 0 : i32
      %dma_wait3A_83 = tpu.memref_slice %arg4[%dma_wait3A_81, %dma_wait3A_82] : memref<10000x128xf32, #tpu.memory_space<hbm>> -> memref<10000x128xf32, #tpu.memory_space<hbm>>
      tpu.wait_indirect_dma semaphore(%arg20 : memref<!tpu.dma_semaphore, #tpu.memory_space<semaphore_mem>>) src(%dma_wait3A_83 : memref<10000x128xf32, #tpu.memory_space<hbm>>) dst(%arg16 : memref<80x128xf32, #tpu.memory_space<vmem>>)
      "tpu.region"() ({
        %run_scoped3A_102 = tpu.sem_alloc : memref<!tpu.dma_semaphore, #tpu.memory_space<semaphore_mem>>
        %dma_start3A_103 = arith.constant 0 : i32
        %dma_start3A_104 = tpu.memref_slice %arg14[%mul3A_69, %dma_start3A_103] : memref<125x80xi32, #tpu.memory_space<vmem>> -> memref<1x80xi32, #tpu.memory_space<vmem>>
        %dma_start3A_105 = tpu.memref_squeeze %dma_start3A_104 : memref<1x80xi32, #tpu.memory_space<vmem>> -> memref<80xi32, #tpu.memory_space<vmem>>
        %dma_start3A_106 = arith.constant 0 : i32
        %dma_start3A_107 = arith.constant 0 : i32
        %dma_start3A_108 = tpu.memref_slice %arg13[%dma_start3A_106, %dma_start3A_107] : memref<10240x128xf32, #tpu.memory_space<vmem_shared>> -> memref<10240x128xf32, #tpu.memory_space<vmem_shared>>
        tpu.enqueue_indirect_dma source(%arg16 : memref<80x128xf32, #tpu.memory_space<vmem>>) target(%dma_start3A_108 : memref<10240x128xf32, #tpu.memory_space<vmem_shared>>) offsets(%dma_start3A_105 : memref<80xi32, #tpu.memory_space<vmem>>) semaphore(%run_scoped3A_102 : memref<!tpu.dma_semaphore, #tpu.memory_space<semaphore_mem>>) {add = true}
        %dma_wait3A_109 = arith.constant 0 : i32
        %dma_wait3A_110 = tpu.memref_slice %arg14[%mul3A_69, %dma_wait3A_109] : memref<125x80xi32, #tpu.memory_space<vmem>> -> memref<1x80xi32, #tpu.memory_space<vmem>>
        %dma_wait3A_111 = tpu.memref_squeeze %dma_wait3A_110 : memref<1x80xi32, #tpu.memory_space<vmem>> -> memref<80xi32, #tpu.memory_space<vmem>>
        %dma_wait3A_112 = arith.constant 0 : i32
        %dma_wait3A_113 = arith.constant 0 : i32
        %dma_wait3A_114 = tpu.memref_slice %arg13[%dma_wait3A_112, %dma_wait3A_113] : memref<10240x128xf32, #tpu.memory_space<vmem_shared>> -> memref<10240x128xf32, #tpu.memory_space<vmem_shared>>
        tpu.wait_indirect_dma semaphore(%run_scoped3A_102 : memref<!tpu.dma_semaphore, #tpu.memory_space<semaphore_mem>>) src(%arg16 : memref<80x128xf32, #tpu.memory_space<vmem>>) dst(%dma_wait3A_114 : memref<10240x128xf32, #tpu.memory_space<vmem_shared>>)
        tpu.yield
      }) : () -> ()
      %add3A_84 = arith.constant 2 : i32
      %add3A_85 = arith.addi %mul3A_69, %add3A_84 : i32
      %mul3A_86 = arith.constant 80 : i32
      %mul3A_87 = arith.muli %add3A_85, %mul3A_86 : i32
      %dma_start3A_88 = tpu.memref_slice %arg15[%mul3A_87] : memref<10000xi32, #tpu.memory_space<vmem>> -> memref<80xi32, #tpu.memory_space<vmem>>
      %dma_start3A_89 = arith.constant 0 : i32
      %dma_start3A_90 = arith.constant 0 : i32
      %dma_start3A_91 = tpu.memref_slice %arg4[%dma_start3A_89, %dma_start3A_90] : memref<10000x128xf32, #tpu.memory_space<hbm>> -> memref<10000x128xf32, #tpu.memory_space<hbm>>
      tpu.enqueue_indirect_dma source(%dma_start3A_91 : memref<10000x128xf32, #tpu.memory_space<hbm>>) target(%arg16 : memref<80x128xf32, #tpu.memory_space<vmem>>) offsets(%dma_start3A_88 : memref<80xi32, #tpu.memory_space<vmem>>) semaphore(%arg20 : memref<!tpu.dma_semaphore, #tpu.memory_space<semaphore_mem>>)
      %add3A_92 = arith.constant 1 : i32
      %add3A_93 = arith.addi %mul3A_69, %add3A_92 : i32
      %mul3A_94 = arith.constant 80 : i32
      %mul3A_95 = arith.muli %add3A_93, %mul3A_94 : i32
      %dma_wait3A_96 = tpu.memref_slice %arg15[%mul3A_95] : memref<10000xi32, #tpu.memory_space<vmem>> -> memref<80xi32, #tpu.memory_space<vmem>>
      %dma_wait3A_97 = arith.constant 0 : i32
      %dma_wait3A_98 = arith.constant 0 : i32
      %dma_wait3A_99 = tpu.memref_slice %arg4[%dma_wait3A_97, %dma_wait3A_98] : memref<10000x128xf32, #tpu.memory_space<hbm>> -> memref<10000x128xf32, #tpu.memory_space<hbm>>
      tpu.wait_indirect_dma semaphore(%arg21 : memref<!tpu.dma_semaphore, #tpu.memory_space<semaphore_mem>>) src(%dma_wait3A_99 : memref<10000x128xf32, #tpu.memory_space<hbm>>) dst(%arg17 : memref<80x128xf32, #tpu.memory_space<vmem>>)
      %add3A_100 = arith.constant 1 : i32
      %add3A_101 = arith.addi %mul3A_69, %add3A_100 : i32
      "tpu.region"() ({
        %run_scoped3A_102 = tpu.sem_alloc : memref<!tpu.dma_semaphore, #tpu.memory_space<semaphore_mem>>
        %dma_start3A_103 = arith.constant 0 : i32
        %dma_start3A_104 = tpu.memref_slice %arg14[%add3A_101, %dma_start3A_103] : memref<125x80xi32, #tpu.memory_space<vmem>> -> memref<1x80xi32, #tpu.memory_space<vmem>>
        %dma_start3A_105 = tpu.memref_squeeze %dma_start3A_104 : memref<1x80xi32, #tpu.memory_space<vmem>> -> memref<80xi32, #tpu.memory_space<vmem>>
        %dma_start3A_106 = arith.constant 0 : i32
        %dma_start3A_107 = arith.constant 0 : i32
        %dma_start3A_108 = tpu.memref_slice %arg13[%dma_start3A_106, %dma_start3A_107] : memref<10240x128xf32, #tpu.memory_space<vmem_shared>> -> memref<10240x128xf32, #tpu.memory_space<vmem_shared>>
        tpu.enqueue_indirect_dma source(%arg17 : memref<80x128xf32, #tpu.memory_space<vmem>>) target(%dma_start3A_108 : memref<10240x128xf32, #tpu.memory_space<vmem_shared>>) offsets(%dma_start3A_105 : memref<80xi32, #tpu.memory_space<vmem>>) semaphore(%run_scoped3A_102 : memref<!tpu.dma_semaphore, #tpu.memory_space<semaphore_mem>>) {add = true}
        %dma_wait3A_109 = arith.constant 0 : i32
        %dma_wait3A_110 = tpu.memref_slice %arg14[%add3A_101, %dma_wait3A_109] : memref<125x80xi32, #tpu.memory_space<vmem>> -> memref<1x80xi32, #tpu.memory_space<vmem>>
        %dma_wait3A_111 = tpu.memref_squeeze %dma_wait3A_110 : memref<1x80xi32, #tpu.memory_space<vmem>> -> memref<80xi32, #tpu.memory_space<vmem>>
        %dma_wait3A_112 = arith.constant 0 : i32
        %dma_wait3A_113 = arith.constant 0 : i32
        %dma_wait3A_114 = tpu.memref_slice %arg13[%dma_wait3A_112, %dma_wait3A_113] : memref<10240x128xf32, #tpu.memory_space<vmem_shared>> -> memref<10240x128xf32, #tpu.memory_space<vmem_shared>>
        tpu.wait_indirect_dma semaphore(%run_scoped3A_102 : memref<!tpu.dma_semaphore, #tpu.memory_space<semaphore_mem>>) src(%arg17 : memref<80x128xf32, #tpu.memory_space<vmem>>) dst(%dma_wait3A_114 : memref<10240x128xf32, #tpu.memory_space<vmem_shared>>)
        tpu.yield
      }) : () -> ()
    }
    %scan3A_56 = arith.constant 62 : i32
    %dma_wait3A_57 = arith.constant 9920 : i32
    %dma_wait3A_58 = tpu.memref_slice %arg15[%dma_wait3A_57] : memref<10000xi32, #tpu.memory_space<vmem>> -> memref<80xi32, #tpu.memory_space<vmem>>
    %dma_wait3A_59 = arith.constant 0 : i32
    %dma_wait3A_60 = arith.constant 0 : i32
    %dma_wait3A_61 = tpu.memref_slice %arg4[%dma_wait3A_59, %dma_wait3A_60] : memref<10000x128xf32, #tpu.memory_space<hbm>> -> memref<10000x128xf32, #tpu.memory_space<hbm>>
    tpu.wait_indirect_dma semaphore(%arg20 : memref<!tpu.dma_semaphore, #tpu.memory_space<semaphore_mem>>) src(%dma_wait3A_61 : memref<10000x128xf32, #tpu.memory_space<hbm>>) dst(%arg16 : memref<80x128xf32, #tpu.memory_space<vmem>>)
    %run_scoped3A_62 = arith.constant 124 : i32
    "tpu.region"() ({
      %run_scoped3A_67 = tpu.sem_alloc : memref<!tpu.dma_semaphore, #tpu.memory_space<semaphore_mem>>
      %dma_start3A_68 = arith.constant 0 : i32
      %dma_start3A_69 = tpu.memref_slice %arg14[%run_scoped3A_62, %dma_start3A_68] : memref<125x80xi32, #tpu.memory_space<vmem>> -> memref<1x80xi32, #tpu.memory_space<vmem>>
      %dma_start3A_70 = tpu.memref_squeeze %dma_start3A_69 : memref<1x80xi32, #tpu.memory_space<vmem>> -> memref<80xi32, #tpu.memory_space<vmem>>
      %dma_start3A_71 = arith.constant 0 : i32
      %dma_start3A_72 = arith.constant 0 : i32
      %dma_start3A_73 = tpu.memref_slice %arg13[%dma_start3A_71, %dma_start3A_72] : memref<10240x128xf32, #tpu.memory_space<vmem_shared>> -> memref<10240x128xf32, #tpu.memory_space<vmem_shared>>
      tpu.enqueue_indirect_dma source(%arg16 : memref<80x128xf32, #tpu.memory_space<vmem>>) target(%dma_start3A_73 : memref<10240x128xf32, #tpu.memory_space<vmem_shared>>) offsets(%dma_start3A_70 : memref<80xi32, #tpu.memory_space<vmem>>) semaphore(%run_scoped3A_67 : memref<!tpu.dma_semaphore, #tpu.memory_space<semaphore_mem>>) {add = true}
      %dma_wait3A_74 = arith.constant 0 : i32
      %dma_wait3A_75 = tpu.memref_slice %arg14[%run_scoped3A_62, %dma_wait3A_74] : memref<125x80xi32, #tpu.memory_space<vmem>> -> memref<1x80xi32, #tpu.memory_space<vmem>>
      %dma_wait3A_76 = tpu.memref_squeeze %dma_wait3A_75 : memref<1x80xi32, #tpu.memory_space<vmem>> -> memref<80xi32, #tpu.memory_space<vmem>>
      %dma_wait3A_77 = arith.constant 0 : i32
      %dma_wait3A_78 = arith.constant 0 : i32
      %dma_wait3A_79 = tpu.memref_slice %arg13[%dma_wait3A_77, %dma_wait3A_78] : memref<10240x128xf32, #tpu.memory_space<vmem_shared>> -> memref<10240x128xf32, #tpu.memory_space<vmem_shared>>
      tpu.wait_indirect_dma semaphore(%run_scoped3A_67 : memref<!tpu.dma_semaphore, #tpu.memory_space<semaphore_mem>>) src(%arg16 : memref<80x128xf32, #tpu.memory_space<vmem>>) dst(%dma_wait3A_79 : memref<10240x128xf32, #tpu.memory_space<vmem_shared>>)
      tpu.yield
    }) : () -> ()
    %barrier3A_63 = arith.constant 0 : index
    tpu.barrier barrier_id(%barrier3A_63)
    %mul3A_64 = arith.constant 10240 : i32
    %mul3A_65 = arith.muli %arg0, %mul3A_64 : i32
    %add3A_66 = arith.addi %mul3A_65, %mul3A_2 : i32
    "tpu.region"() ({
      %run_scoped3A_67 = tpu.sem_alloc : memref<!tpu.dma_semaphore, #tpu.memory_space<semaphore_mem>>
      %dma_start3A_68 = arith.constant 0 : i32
      %dma_start3A_69 = tpu.memref_slice %arg11[%add3A_66, %dma_start3A_68] : memref<20480x128xf32, #tpu.memory_space<hbm>> -> memref<640x128xf32, #tpu.memory_space<hbm>>
      %dma_start3A_70 = arith.constant 0 : i32
      %dma_start3A_71 = tpu.memref_slice %arg13[%mul3A_2, %dma_start3A_70] : memref<10240x128xf32, #tpu.memory_space<vmem_shared>> -> memref<640x128xf32, #tpu.memory_space<vmem_shared>>
      tpu.enqueue_dma source(%dma_start3A_71 : memref<640x128xf32, #tpu.memory_space<vmem_shared>>) target(%dma_start3A_69 : memref<640x128xf32, #tpu.memory_space<hbm>>) target_semaphore(%run_scoped3A_67 : memref<!tpu.dma_semaphore, #tpu.memory_space<semaphore_mem>>)
      %dma_wait3A_72 = arith.constant 0 : i32
      %dma_wait3A_73 = tpu.memref_slice %arg11[%add3A_66, %dma_wait3A_72] : memref<20480x128xf32, #tpu.memory_space<hbm>> -> memref<640x128xf32, #tpu.memory_space<hbm>>
      %dma_wait3A_74 = arith.constant 0 : i32
      %dma_wait3A_75 = tpu.memref_slice %arg13[%mul3A_2, %dma_wait3A_74] : memref<10240x128xf32, #tpu.memory_space<vmem_shared>> -> memref<640x128xf32, #tpu.memory_space<vmem_shared>>
      tpu.wait_dma2 semaphore(%run_scoped3A_67 : memref<!tpu.dma_semaphore, #tpu.memory_space<semaphore_mem>>) src(%dma_wait3A_75 : memref<640x128xf32, #tpu.memory_space<vmem_shared>>) dst(%dma_wait3A_73 : memref<640x128xf32, #tpu.memory_space<hbm>>)
      tpu.yield
    }) : () -> ()
    return
  }
}

module attributes {stable_mosaic.version = 14 : i64} {
  func.func @_step_body(%arg0: i32, %arg1: memref<1024x128xf32, #tpu.memory_space<vmem>>, %arg2: memref<2x1024x128xf32, #tpu.memory_space<vmem>>, %arg3: memref<2x1024x128xf32, #tpu.memory_space<vmem>>, %arg4: memref<2x1024x128xf32, #tpu.memory_space<vmem>>, %arg5: memref<1024x16xi32, #tpu.memory_space<vmem>>, %arg6: memref<1x16xf32, #tpu.memory_space<vmem>>, %arg7: memref<128x256xf32, #tpu.memory_space<vmem>>, %arg8: memref<128x256xf32, #tpu.memory_space<vmem>>, %arg9: memref<1x256xf32, #tpu.memory_space<vmem>>, %arg10: memref<128x256xf32, #tpu.memory_space<vmem>>, %arg11: memref<256x384xf32, #tpu.memory_space<vmem>>, %arg12: memref<1x384xf32, #tpu.memory_space<vmem>>, %arg13: memref<128x384xf32, #tpu.memory_space<vmem>>, %arg14: memref<1x384xf32, #tpu.memory_space<vmem>>, %arg15: memref<1024x128xf32, #tpu.memory_space<vmem>>) attributes {dimension_semantics = [#tpu.dimension_semantics<arbitrary>], iteration_bounds = array<i64: 10>, scalar_prefetch = 0 : i64, scratch_operands = 0 : i64, tpu.core_type = #tpu.core_type<tc>, window_params = [{transform_indices = @transform_0, window_bounds = array<i64: 1024, 128>}, {transform_indices = @transform_1, window_bounds = array<i64: 2, 1024, 128>}, {transform_indices = @transform_2, window_bounds = array<i64: 2, 1024, 128>}, {transform_indices = @transform_3, window_bounds = array<i64: 2, 1024, 128>}, {transform_indices = @transform_4, window_bounds = array<i64: 1024, 16>}, {pipeline_mode = #tpu.pipeline_mode<synchronous>, transform_indices = @transform_5, window_bounds = array<i64: 1, 16>}, {pipeline_mode = #tpu.pipeline_mode<synchronous>, transform_indices = @transform_6, window_bounds = array<i64: 128, 256>}, {pipeline_mode = #tpu.pipeline_mode<synchronous>, transform_indices = @transform_7, window_bounds = array<i64: 128, 256>}, {pipeline_mode = #tpu.pipeline_mode<synchronous>, transform_indices = @transform_8, window_bounds = array<i64: 1, 256>}, {pipeline_mode = #tpu.pipeline_mode<synchronous>, transform_indices = @transform_9, window_bounds = array<i64: 128, 256>}, {pipeline_mode = #tpu.pipeline_mode<synchronous>, transform_indices = @transform_10, window_bounds = array<i64: 256, 384>}, {pipeline_mode = #tpu.pipeline_mode<synchronous>, transform_indices = @transform_11, window_bounds = array<i64: 1, 384>}, {pipeline_mode = #tpu.pipeline_mode<synchronous>, transform_indices = @transform_12, window_bounds = array<i64: 128, 384>}, {pipeline_mode = #tpu.pipeline_mode<synchronous>, transform_indices = @transform_13, window_bounds = array<i64: 1, 384>}, {transform_indices = @transform_14, window_bounds = array<i64: 1024, 128>}]} {
    %get3A = arith.constant 0 : index
    %get3A_0 = arith.constant 0 : index
    %get3A_1 = vector.load %arg1[%get3A, %get3A_0] : memref<1024x128xf32, #tpu.memory_space<vmem>>, vector<1024x128xf32>
    %get3A_2 = arith.constant 0 : index
    %get3A_3 = arith.constant 0 : index
    %get3A_4 = arith.constant 0 : index
    %get3A_5 = vector.load %arg2[%get3A_2, %get3A_3, %get3A_4] : memref<2x1024x128xf32, #tpu.memory_space<vmem>>, vector<1x1024x128xf32>
    %get3A_6 = vector.shape_cast %get3A_5 : vector<1x1024x128xf32> to vector<1024x128xf32>
    %get3A_7 = arith.constant 1 : index
    %get3A_8 = arith.constant 0 : index
    %get3A_9 = arith.constant 0 : index
    %get3A_10 = vector.load %arg2[%get3A_7, %get3A_8, %get3A_9] : memref<2x1024x128xf32, #tpu.memory_space<vmem>>, vector<1x1024x128xf32>
    %get3A_11 = vector.shape_cast %get3A_10 : vector<1x1024x128xf32> to vector<1024x128xf32>
    %add3A = arith.addf %get3A_6, %get3A_11 : vector<1024x128xf32>
    %get3A_12 = arith.constant 0 : index
    %get3A_13 = arith.constant 0 : index
    %get3A_14 = arith.constant 0 : index
    %get3A_15 = vector.load %arg3[%get3A_12, %get3A_13, %get3A_14] : memref<2x1024x128xf32, #tpu.memory_space<vmem>>, vector<1x1024x128xf32>
    %get3A_16 = vector.shape_cast %get3A_15 : vector<1x1024x128xf32> to vector<1024x128xf32>
    %get3A_17 = arith.constant 1 : index
    %get3A_18 = arith.constant 0 : index
    %get3A_19 = arith.constant 0 : index
    %get3A_20 = vector.load %arg3[%get3A_17, %get3A_18, %get3A_19] : memref<2x1024x128xf32, #tpu.memory_space<vmem>>, vector<1x1024x128xf32>
    %get3A_21 = vector.shape_cast %get3A_20 : vector<1x1024x128xf32> to vector<1024x128xf32>
    %add3A_22 = arith.addf %get3A_16, %get3A_21 : vector<1024x128xf32>
    %get3A_23 = arith.constant 0 : index
    %get3A_24 = arith.constant 0 : index
    %get3A_25 = arith.constant 0 : index
    %get3A_26 = vector.load %arg4[%get3A_23, %get3A_24, %get3A_25] : memref<2x1024x128xf32, #tpu.memory_space<vmem>>, vector<1x1024x1xf32>
    %get3A_27 = vector.shape_cast %get3A_26 : vector<1x1024x1xf32> to vector<1024x1xf32>
    %get3A_28 = arith.constant 1 : index
    %get3A_29 = arith.constant 0 : index
    %get3A_30 = arith.constant 0 : index
    %get3A_31 = vector.load %arg4[%get3A_28, %get3A_29, %get3A_30] : memref<2x1024x128xf32, #tpu.memory_space<vmem>>, vector<1x1024x1xf32>
    %get3A_32 = vector.shape_cast %get3A_31 : vector<1x1024x1xf32> to vector<1024x1xf32>
    %add3A_33 = arith.addf %get3A_27, %get3A_32 : vector<1024x1xf32>
    %get3A_34 = arith.constant 0 : index
    %get3A_35 = arith.constant 0 : index
    %get3A_36 = vector.load %arg8[%get3A_34, %get3A_35] : memref<128x256xf32, #tpu.memory_space<vmem>>, vector<128x256xf32>
    %dot_general3A = arith.constant dense<0.000000e+00> : vector<1024x256xf32>
    %dot_general3A_37 = tpu.matmul %get3A_1, %get3A_36, %dot_general3A {dimension_numbers = #tpu.dot_dimension_numbers<[1], [0], [0], [1], [0, 0, 1, 1], [], []>, transpose_lhs_hint = false} : vector<1024x128xf32>, vector<128x256xf32>, vector<1024x256xf32> -> vector<1024x256xf32>
    %get3A_38 = arith.constant 0 : index
    %get3A_39 = arith.constant 0 : index
    %get3A_40 = vector.load %arg9[%get3A_38, %get3A_39] : memref<1x256xf32, #tpu.memory_space<vmem>>, vector<1x256xf32>
    %add3A_41 = vector.broadcast %get3A_40 : vector<1x256xf32> to vector<1024x256xf32>
    %add3A_42 = arith.addf %dot_general3A_37, %add3A_41 : vector<1024x256xf32>
    %get3A_43 = arith.constant 0 : index
    %get3A_44 = arith.constant 0 : index
    %get3A_45 = vector.load %arg7[%get3A_43, %get3A_44] : memref<128x256xf32, #tpu.memory_space<vmem>>, vector<128x256xf32>
    %dot_general3A_46 = arith.constant dense<0.000000e+00> : vector<1024x256xf32>
    %dot_general3A_47 = tpu.matmul %add3A, %get3A_45, %dot_general3A_46 {dimension_numbers = #tpu.dot_dimension_numbers<[1], [0], [0], [1], [0, 0, 1, 1], [], []>, transpose_lhs_hint = false} : vector<1024x128xf32>, vector<128x256xf32>, vector<1024x256xf32> -> vector<1024x256xf32>
    %mul3A = vector.broadcast %add3A_33 : vector<1024x1xf32> to vector<1024x256xf32>
    %mul3A_48 = arith.mulf %mul3A, %add3A_42 : vector<1024x256xf32>
    %add3A_49 = arith.addf %dot_general3A_47, %mul3A_48 : vector<1024x256xf32>
    %get3A_50 = arith.constant 0 : index
    %get3A_51 = arith.constant 0 : index
    %get3A_52 = vector.load %arg10[%get3A_50, %get3A_51] : memref<128x256xf32, #tpu.memory_space<vmem>>, vector<128x256xf32>
    %dot_general3A_53 = arith.constant dense<0.000000e+00> : vector<1024x256xf32>
    %dot_general3A_54 = tpu.matmul %add3A_22, %get3A_52, %dot_general3A_53 {dimension_numbers = #tpu.dot_dimension_numbers<[1], [0], [0], [1], [0, 0, 1, 1], [], []>, transpose_lhs_hint = false} : vector<1024x128xf32>, vector<128x256xf32>, vector<1024x256xf32> -> vector<1024x256xf32>
    %add3A_55 = arith.addf %add3A_49, %dot_general3A_54 : vector<1024x256xf32>
    %get3A_56 = arith.constant 0 : index
    %get3A_57 = arith.constant 0 : index
    %get3A_58 = vector.load %arg11[%get3A_56, %get3A_57] : memref<256x384xf32, #tpu.memory_space<vmem>>, vector<256x384xf32>
    %dot_general3A_59 = arith.constant dense<0.000000e+00> : vector<1024x384xf32>
    %dot_general3A_60 = tpu.matmul %add3A_55, %get3A_58, %dot_general3A_59 {dimension_numbers = #tpu.dot_dimension_numbers<[1], [0], [0], [1], [0, 0, 1, 1], [], []>, transpose_lhs_hint = false} : vector<1024x256xf32>, vector<256x384xf32>, vector<1024x384xf32> -> vector<1024x384xf32>
    %get3A_61 = arith.constant 0 : index
    %get3A_62 = arith.constant 0 : index
    %get3A_63 = vector.load %arg12[%get3A_61, %get3A_62] : memref<1x384xf32, #tpu.memory_space<vmem>>, vector<1x384xf32>
    %add3A_64 = vector.broadcast %get3A_63 : vector<1x384xf32> to vector<1024x384xf32>
    %add3A_65 = arith.addf %dot_general3A_60, %add3A_64 : vector<1024x384xf32>
    %get3A_66 = arith.constant 0 : index
    %get3A_67 = arith.constant 0 : index
    %get3A_68 = vector.load %arg13[%get3A_66, %get3A_67] : memref<128x384xf32, #tpu.memory_space<vmem>>, vector<128x384xf32>
    %dot_general3A_69 = arith.constant dense<0.000000e+00> : vector<1024x384xf32>
    %dot_general3A_70 = tpu.matmul %get3A_1, %get3A_68, %dot_general3A_69 {dimension_numbers = #tpu.dot_dimension_numbers<[1], [0], [0], [1], [0, 0, 1, 1], [], []>, transpose_lhs_hint = false} : vector<1024x128xf32>, vector<128x384xf32>, vector<1024x384xf32> -> vector<1024x384xf32>
    %get3A_71 = arith.constant 0 : index
    %get3A_72 = arith.constant 0 : index
    %get3A_73 = vector.load %arg14[%get3A_71, %get3A_72] : memref<1x384xf32, #tpu.memory_space<vmem>>, vector<1x384xf32>
    %add3A_74 = vector.broadcast %get3A_73 : vector<1x384xf32> to vector<1024x384xf32>
    %add3A_75 = arith.addf %dot_general3A_70, %add3A_74 : vector<1024x384xf32>
    %slice3A = vector.extract_strided_slice %add3A_65 {offsets = [0, 0], sizes = [1024, 128], strides = [1, 1]} : vector<1024x384xf32> to vector<1024x128xf32>
    %slice3A_76 = vector.extract_strided_slice %add3A_75 {offsets = [0, 0], sizes = [1024, 128], strides = [1, 1]} : vector<1024x384xf32> to vector<1024x128xf32>
    %add3A_77 = arith.addf %slice3A, %slice3A_76 : vector<1024x128xf32>
    %logistic3A = arith.negf %add3A_77 : vector<1024x128xf32>
    %logistic3A_78 = math.exp %logistic3A : vector<1024x128xf32>
    %logistic3A_79 = arith.constant 1.000000e+00 : f32
    %logistic3A_80 = vector.broadcast %logistic3A_79 : f32 to vector<1024x128xf32>
    %logistic3A_81 = arith.addf %logistic3A_80, %logistic3A_78 : vector<1024x128xf32>
    %logistic3A_82 = arith.divf %logistic3A_80, %logistic3A_81 : vector<1024x128xf32>
    %slice3A_83 = vector.extract_strided_slice %add3A_65 {offsets = [0, 128], sizes = [1024, 128], strides = [1, 1]} : vector<1024x384xf32> to vector<1024x128xf32>
    %slice3A_84 = vector.extract_strided_slice %add3A_75 {offsets = [0, 128], sizes = [1024, 128], strides = [1, 1]} : vector<1024x384xf32> to vector<1024x128xf32>
    %add3A_85 = arith.addf %slice3A_83, %slice3A_84 : vector<1024x128xf32>
    %logistic3A_86 = arith.negf %add3A_85 : vector<1024x128xf32>
    %logistic3A_87 = math.exp %logistic3A_86 : vector<1024x128xf32>
    %logistic3A_88 = arith.constant 1.000000e+00 : f32
    %logistic3A_89 = vector.broadcast %logistic3A_88 : f32 to vector<1024x128xf32>
    %logistic3A_90 = arith.addf %logistic3A_89, %logistic3A_87 : vector<1024x128xf32>
    %logistic3A_91 = arith.divf %logistic3A_89, %logistic3A_90 : vector<1024x128xf32>
    %slice3A_92 = vector.extract_strided_slice %add3A_65 {offsets = [0, 256], sizes = [1024, 128], strides = [1, 1]} : vector<1024x384xf32> to vector<1024x128xf32>
    %slice3A_93 = vector.extract_strided_slice %add3A_75 {offsets = [0, 256], sizes = [1024, 128], strides = [1, 1]} : vector<1024x384xf32> to vector<1024x128xf32>
    %mul3A_94 = arith.mulf %logistic3A_82, %slice3A_93 : vector<1024x128xf32>
    %add3A_95 = arith.addf %slice3A_92, %mul3A_94 : vector<1024x128xf32>
    %tanh3A = math.tanh %add3A_95 : vector<1024x128xf32>
    %sub3A = arith.constant 1.000000e+00 : f32
    %sub3A_96 = vector.broadcast %sub3A : f32 to vector<1024x128xf32>
    %sub3A_97 = arith.subf %sub3A_96, %logistic3A_91 : vector<1024x128xf32>
    %mul3A_98 = arith.mulf %sub3A_97, %tanh3A : vector<1024x128xf32>
    %mul3A_99 = arith.mulf %logistic3A_91, %get3A_1 : vector<1024x128xf32>
    %add3A_100 = arith.addf %mul3A_98, %mul3A_99 : vector<1024x128xf32>
    %get3A_101 = arith.constant 0 : index
    %get3A_102 = arith.constant 0 : index
    %get3A_103 = vector.load %arg5[%get3A_101, %get3A_102] : memref<1024x16xi32, #tpu.memory_space<vmem>>, vector<1024x16xi32>
    %convert_element_type3A = arith.sitofp %get3A_103 : vector<1024x16xi32> to vector<1024x16xf32>
    %get3A_104 = arith.constant 0 : index
    %get3A_105 = arith.constant 0 : index
    %get3A_106 = vector.load %arg6[%get3A_104, %get3A_105] : memref<1x16xf32, #tpu.memory_space<vmem>>, vector<1x16xf32>
    %mul3A_107 = vector.broadcast %get3A_106 : vector<1x16xf32> to vector<1024x16xf32>
    %mul3A_108 = arith.mulf %convert_element_type3A, %mul3A_107 : vector<1024x16xf32>
    %reduce_sum3A = arith.constant dense<0.000000e+00> : vector<1024xf32>
    %reduce_sum3A_109 = vector.multi_reduction <add>, %mul3A_108, %reduce_sum3A [1] : vector<1024x16xf32> to vector<1024xf32>
    %broadcast_in_dim3A = vector.shape_cast %reduce_sum3A_109 : vector<1024xf32> to vector<1024x1xf32>
    %gt3A = arith.constant 0.000000e+00 : f32
    %gt3A_110 = vector.broadcast %gt3A : f32 to vector<1024x1xf32>
    %gt3A_111 = arith.cmpf ogt, %broadcast_in_dim3A, %gt3A_110 : vector<1024x1xf32>
    %broadcast_in_dim3A_112 = vector.shape_cast %gt3A_111 : vector<1024x1xi1> to vector<1024x1xi1>
    %broadcast_in_dim3A_113 = vector.broadcast %broadcast_in_dim3A_112 : vector<1024x1xi1> to vector<1024x128xi1>
    %select_n3A = arith.select %broadcast_in_dim3A_113, %add3A_100, %get3A_1 : vector<1024x128xi1>, vector<1024x128xf32>
    %swap3A = arith.constant 0 : index
    %swap3A_114 = arith.constant 0 : index
    %swap3A_115 = vector.load %arg15[%swap3A, %swap3A_114] : memref<1024x128xf32, #tpu.memory_space<vmem>>, vector<1024x128xf32>
    tpu.vector_store %arg15[%swap3A, %swap3A_114], %select_n3A {strides = array<i32>} : memref<1024x128xf32, #tpu.memory_space<vmem>>, vector<1024x128xf32>,
    return
  }
  func.func @transform_0(%arg0: i32) -> (i32, i32) {
    %c0_i32 = arith.constant 0 : i32
    %c0_i32_0 = arith.constant 0 : i32
    return %arg0, %c0_i32 : i32, i32
  }
  func.func @transform_1(%arg0: i32) -> (i32, i32, i32) {
    %c0_i32 = arith.constant 0 : i32
    %c0_i32_0 = arith.constant 0 : i32
    %c0_i32_1 = arith.constant 0 : i32
    return %c0_i32, %arg0, %c0_i32_0 : i32, i32, i32
  }
  func.func @transform_2(%arg0: i32) -> (i32, i32, i32) {
    %c0_i32 = arith.constant 0 : i32
    %c0_i32_0 = arith.constant 0 : i32
    %c0_i32_1 = arith.constant 0 : i32
    return %c0_i32, %arg0, %c0_i32_0 : i32, i32, i32
  }
  func.func @transform_3(%arg0: i32) -> (i32, i32, i32) {
    %c0_i32 = arith.constant 0 : i32
    %c0_i32_0 = arith.constant 0 : i32
    %c0_i32_1 = arith.constant 0 : i32
    return %c0_i32, %arg0, %c0_i32_0 : i32, i32, i32
  }
  func.func @transform_4(%arg0: i32) -> (i32, i32) {
    %c0_i32 = arith.constant 0 : i32
    %c0_i32_0 = arith.constant 0 : i32
    return %arg0, %c0_i32 : i32, i32
  }
  func.func @transform_5(%arg0: i32) -> (i32, i32) {
    %c0_i32 = arith.constant 0 : i32
    %c0_i32_0 = arith.constant 0 : i32
    %c0_i32_1 = arith.constant 0 : i32
    return %c0_i32, %c0_i32_0 : i32, i32
  }
  func.func @transform_6(%arg0: i32) -> (i32, i32) {
    %c0_i32 = arith.constant 0 : i32
    %c0_i32_0 = arith.constant 0 : i32
    %c0_i32_1 = arith.constant 0 : i32
    return %c0_i32, %c0_i32_0 : i32, i32
  }
  func.func @transform_7(%arg0: i32) -> (i32, i32) {
    %c0_i32 = arith.constant 0 : i32
    %c0_i32_0 = arith.constant 0 : i32
    %c0_i32_1 = arith.constant 0 : i32
    return %c0_i32, %c0_i32_0 : i32, i32
  }
  func.func @transform_8(%arg0: i32) -> (i32, i32) {
    %c0_i32 = arith.constant 0 : i32
    %c0_i32_0 = arith.constant 0 : i32
    %c0_i32_1 = arith.constant 0 : i32
    return %c0_i32, %c0_i32_0 : i32, i32
  }
  func.func @transform_9(%arg0: i32) -> (i32, i32) {
    %c0_i32 = arith.constant 0 : i32
    %c0_i32_0 = arith.constant 0 : i32
    %c0_i32_1 = arith.constant 0 : i32
    return %c0_i32, %c0_i32_0 : i32, i32
  }
  func.func @transform_10(%arg0: i32) -> (i32, i32) {
    %c0_i32 = arith.constant 0 : i32
    %c0_i32_0 = arith.constant 0 : i32
    %c0_i32_1 = arith.constant 0 : i32
    return %c0_i32, %c0_i32_0 : i32, i32
  }
  func.func @transform_11(%arg0: i32) -> (i32, i32) {
    %c0_i32 = arith.constant 0 : i32
    %c0_i32_0 = arith.constant 0 : i32
    %c0_i32_1 = arith.constant 0 : i32
    return %c0_i32, %c0_i32_0 : i32, i32
  }
  func.func @transform_12(%arg0: i32) -> (i32, i32) {
    %c0_i32 = arith.constant 0 : i32
    %c0_i32_0 = arith.constant 0 : i32
    %c0_i32_1 = arith.constant 0 : i32
    return %c0_i32, %c0_i32_0 : i32, i32
  }
  func.func @transform_13(%arg0: i32) -> (i32, i32) {
    %c0_i32 = arith.constant 0 : i32
    %c0_i32_0 = arith.constant 0 : i32
    %c0_i32_1 = arith.constant 0 : i32
    return %c0_i32, %c0_i32_0 : i32, i32
  }
  func.func @transform_14(%arg0: i32) -> (i32, i32) {
    %c0_i32 = arith.constant 0 : i32
    %c0_i32_0 = arith.constant 0 : i32
    return %arg0, %c0_i32 : i32, i32
  }
}

module attributes {stable_mosaic.version = 14 : i64} {
  func.func @_step_head_body(%arg0: i32, %arg1: memref<1024x128xf32, #tpu.memory_space<vmem>>, %arg2: memref<2x1024x128xf32, #tpu.memory_space<vmem>>, %arg3: memref<2x1024x128xf32, #tpu.memory_space<vmem>>, %arg4: memref<2x1024x128xf32, #tpu.memory_space<vmem>>, %arg5: memref<1024x16xi32, #tpu.memory_space<vmem>>, %arg6: memref<1x16xf32, #tpu.memory_space<vmem>>, %arg7: memref<128x256xf32, #tpu.memory_space<vmem>>, %arg8: memref<128x256xf32, #tpu.memory_space<vmem>>, %arg9: memref<1x256xf32, #tpu.memory_space<vmem>>, %arg10: memref<128x256xf32, #tpu.memory_space<vmem>>, %arg11: memref<256x384xf32, #tpu.memory_space<vmem>>, %arg12: memref<1x384xf32, #tpu.memory_space<vmem>>, %arg13: memref<128x384xf32, #tpu.memory_space<vmem>>, %arg14: memref<1x384xf32, #tpu.memory_space<vmem>>, %arg15: memref<16x1024xi32, #tpu.memory_space<vmem>>, %arg16: memref<16x128xf32, #tpu.memory_space<vmem>>, %arg17: memref<128x128xf32, #tpu.memory_space<vmem>>, %arg18: memref<1x128xf32, #tpu.memory_space<vmem>>, %arg19: memref<128x128xf32, #tpu.memory_space<vmem>>, %arg20: memref<1x128xf32, #tpu.memory_space<vmem>>, %arg21: memref<8x128xf32, #tpu.memory_space<vmem>>, %arg22: memref<1x8xf32, #tpu.memory_space<vmem>>, %arg23: memref<128x8xf32, #tpu.memory_space<vmem>>, %arg24: memref<128x8xf32, #tpu.memory_space<vmem>>, %arg25: memref<1x8xf32, #tpu.memory_space<vmem>>, %arg26: memref<128x8xf32, #tpu.memory_space<vmem>>, %arg27: memref<4x16x1024xf32, #tpu.memory_space<vmem>>, %arg28: memref<16x128xf32, #tpu.memory_space<vmem>>, %arg29: memref<16x8xf32, #tpu.memory_space<vmem>>) attributes {dimension_semantics = [#tpu.dimension_semantics<arbitrary>], iteration_bounds = array<i64: 10>, scalar_prefetch = 0 : i64, scratch_operands = 0 : i64, tpu.core_type = #tpu.core_type<tc>, window_params = [{transform_indices = @transform_0, window_bounds = array<i64: 1024, 128>}, {transform_indices = @transform_1, window_bounds = array<i64: 2, 1024, 128>}, {transform_indices = @transform_2, window_bounds = array<i64: 2, 1024, 128>}, {transform_indices = @transform_3, window_bounds = array<i64: 2, 1024, 128>}, {transform_indices = @transform_4, window_bounds = array<i64: 1024, 16>}, {pipeline_mode = #tpu.pipeline_mode<synchronous>, transform_indices = @transform_5, window_bounds = array<i64: 1, 16>}, {pipeline_mode = #tpu.pipeline_mode<synchronous>, transform_indices = @transform_6, window_bounds = array<i64: 128, 256>}, {pipeline_mode = #tpu.pipeline_mode<synchronous>, transform_indices = @transform_7, window_bounds = array<i64: 128, 256>}, {pipeline_mode = #tpu.pipeline_mode<synchronous>, transform_indices = @transform_8, window_bounds = array<i64: 1, 256>}, {pipeline_mode = #tpu.pipeline_mode<synchronous>, transform_indices = @transform_9, window_bounds = array<i64: 128, 256>}, {pipeline_mode = #tpu.pipeline_mode<synchronous>, transform_indices = @transform_10, window_bounds = array<i64: 256, 384>}, {pipeline_mode = #tpu.pipeline_mode<synchronous>, transform_indices = @transform_11, window_bounds = array<i64: 1, 384>}, {pipeline_mode = #tpu.pipeline_mode<synchronous>, transform_indices = @transform_12, window_bounds = array<i64: 128, 384>}, {pipeline_mode = #tpu.pipeline_mode<synchronous>, transform_indices = @transform_13, window_bounds = array<i64: 1, 384>}, {transform_indices = @transform_14, window_bounds = array<i64: 16, 1024>}, {pipeline_mode = #tpu.pipeline_mode<synchronous>, transform_indices = @transform_15, window_bounds = array<i64: 16, 128>}, {pipeline_mode = #tpu.pipeline_mode<synchronous>, transform_indices = @transform_16, window_bounds = array<i64: 128, 128>}, {pipeline_mode = #tpu.pipeline_mode<synchronous>, transform_indices = @transform_17, window_bounds = array<i64: 1, 128>}, {pipeline_mode = #tpu.pipeline_mode<synchronous>, transform_indices = @transform_18, window_bounds = array<i64: 128, 128>}, {pipeline_mode = #tpu.pipeline_mode<synchronous>, transform_indices = @transform_19, window_bounds = array<i64: 1, 128>}, {pipeline_mode = #tpu.pipeline_mode<synchronous>, transform_indices = @transform_20, window_bounds = array<i64: 8, 128>}, {pipeline_mode = #tpu.pipeline_mode<synchronous>, transform_indices = @transform_21, window_bounds = array<i64: 1, 8>}, {pipeline_mode = #tpu.pipeline_mode<synchronous>, transform_indices = @transform_22, window_bounds = array<i64: 128, 8>}, {pipeline_mode = #tpu.pipeline_mode<synchronous>, transform_indices = @transform_23, window_bounds = array<i64: 128, 8>}, {pipeline_mode = #tpu.pipeline_mode<synchronous>, transform_indices = @transform_24, window_bounds = array<i64: 1, 8>}, {pipeline_mode = #tpu.pipeline_mode<synchronous>, transform_indices = @transform_25, window_bounds = array<i64: 128, 8>}, {transform_indices = @transform_26, window_bounds = array<i64: 4, 16, 1024>}, {pipeline_mode = #tpu.pipeline_mode<synchronous>, transform_indices = @transform_27, window_bounds = array<i64: 16, 128>}, {pipeline_mode = #tpu.pipeline_mode<synchronous>, transform_indices = @transform_28, window_bounds = array<i64: 16, 8>}]} {
    %get3A = arith.constant 0 : index
    %get3A_0 = arith.constant 0 : index
    %get3A_1 = vector.load %arg1[%get3A, %get3A_0] : memref<1024x128xf32, #tpu.memory_space<vmem>>, vector<1024x128xf32>
    %get3A_2 = arith.constant 0 : index
    %get3A_3 = arith.constant 0 : index
    %get3A_4 = arith.constant 0 : index
    %get3A_5 = vector.load %arg2[%get3A_2, %get3A_3, %get3A_4] : memref<2x1024x128xf32, #tpu.memory_space<vmem>>, vector<1x1024x128xf32>
    %get3A_6 = vector.shape_cast %get3A_5 : vector<1x1024x128xf32> to vector<1024x128xf32>
    %get3A_7 = arith.constant 1 : index
    %get3A_8 = arith.constant 0 : index
    %get3A_9 = arith.constant 0 : index
    %get3A_10 = vector.load %arg2[%get3A_7, %get3A_8, %get3A_9] : memref<2x1024x128xf32, #tpu.memory_space<vmem>>, vector<1x1024x128xf32>
    %get3A_11 = vector.shape_cast %get3A_10 : vector<1x1024x128xf32> to vector<1024x128xf32>
    %add3A = arith.addf %get3A_6, %get3A_11 : vector<1024x128xf32>
    %get3A_12 = arith.constant 0 : index
    %get3A_13 = arith.constant 0 : index
    %get3A_14 = arith.constant 0 : index
    %get3A_15 = vector.load %arg3[%get3A_12, %get3A_13, %get3A_14] : memref<2x1024x128xf32, #tpu.memory_space<vmem>>, vector<1x1024x128xf32>
    %get3A_16 = vector.shape_cast %get3A_15 : vector<1x1024x128xf32> to vector<1024x128xf32>
    %get3A_17 = arith.constant 1 : index
    %get3A_18 = arith.constant 0 : index
    %get3A_19 = arith.constant 0 : index
    %get3A_20 = vector.load %arg3[%get3A_17, %get3A_18, %get3A_19] : memref<2x1024x128xf32, #tpu.memory_space<vmem>>, vector<1x1024x128xf32>
    %get3A_21 = vector.shape_cast %get3A_20 : vector<1x1024x128xf32> to vector<1024x128xf32>
    %add3A_22 = arith.addf %get3A_16, %get3A_21 : vector<1024x128xf32>
    %get3A_23 = arith.constant 0 : index
    %get3A_24 = arith.constant 0 : index
    %get3A_25 = arith.constant 0 : index
    %get3A_26 = vector.load %arg4[%get3A_23, %get3A_24, %get3A_25] : memref<2x1024x128xf32, #tpu.memory_space<vmem>>, vector<1x1024x1xf32>
    %get3A_27 = vector.shape_cast %get3A_26 : vector<1x1024x1xf32> to vector<1024x1xf32>
    %get3A_28 = arith.constant 1 : index
    %get3A_29 = arith.constant 0 : index
    %get3A_30 = arith.constant 0 : index
    %get3A_31 = vector.load %arg4[%get3A_28, %get3A_29, %get3A_30] : memref<2x1024x128xf32, #tpu.memory_space<vmem>>, vector<1x1024x1xf32>
    %get3A_32 = vector.shape_cast %get3A_31 : vector<1x1024x1xf32> to vector<1024x1xf32>
    %add3A_33 = arith.addf %get3A_27, %get3A_32 : vector<1024x1xf32>
    %get3A_34 = arith.constant 0 : index
    %get3A_35 = arith.constant 0 : index
    %get3A_36 = vector.load %arg8[%get3A_34, %get3A_35] : memref<128x256xf32, #tpu.memory_space<vmem>>, vector<128x256xf32>
    %dot_general3A = arith.constant dense<0.000000e+00> : vector<1024x256xf32>
    %dot_general3A_37 = tpu.matmul %get3A_1, %get3A_36, %dot_general3A {dimension_numbers = #tpu.dot_dimension_numbers<[1], [0], [0], [1], [0, 0, 1, 1], [], []>, transpose_lhs_hint = false} : vector<1024x128xf32>, vector<128x256xf32>, vector<1024x256xf32> -> vector<1024x256xf32>
    %get3A_38 = arith.constant 0 : index
    %get3A_39 = arith.constant 0 : index
    %get3A_40 = vector.load %arg9[%get3A_38, %get3A_39] : memref<1x256xf32, #tpu.memory_space<vmem>>, vector<1x256xf32>
    %add3A_41 = vector.broadcast %get3A_40 : vector<1x256xf32> to vector<1024x256xf32>
    %add3A_42 = arith.addf %dot_general3A_37, %add3A_41 : vector<1024x256xf32>
    %get3A_43 = arith.constant 0 : index
    %get3A_44 = arith.constant 0 : index
    %get3A_45 = vector.load %arg7[%get3A_43, %get3A_44] : memref<128x256xf32, #tpu.memory_space<vmem>>, vector<128x256xf32>
    %dot_general3A_46 = arith.constant dense<0.000000e+00> : vector<1024x256xf32>
    %dot_general3A_47 = tpu.matmul %add3A, %get3A_45, %dot_general3A_46 {dimension_numbers = #tpu.dot_dimension_numbers<[1], [0], [0], [1], [0, 0, 1, 1], [], []>, transpose_lhs_hint = false} : vector<1024x128xf32>, vector<128x256xf32>, vector<1024x256xf32> -> vector<1024x256xf32>
    %mul3A = vector.broadcast %add3A_33 : vector<1024x1xf32> to vector<1024x256xf32>
    %mul3A_48 = arith.mulf %mul3A, %add3A_42 : vector<1024x256xf32>
    %add3A_49 = arith.addf %dot_general3A_47, %mul3A_48 : vector<1024x256xf32>
    %get3A_50 = arith.constant 0 : index
    %get3A_51 = arith.constant 0 : index
    %get3A_52 = vector.load %arg10[%get3A_50, %get3A_51] : memref<128x256xf32, #tpu.memory_space<vmem>>, vector<128x256xf32>
    %dot_general3A_53 = arith.constant dense<0.000000e+00> : vector<1024x256xf32>
    %dot_general3A_54 = tpu.matmul %add3A_22, %get3A_52, %dot_general3A_53 {dimension_numbers = #tpu.dot_dimension_numbers<[1], [0], [0], [1], [0, 0, 1, 1], [], []>, transpose_lhs_hint = false} : vector<1024x128xf32>, vector<128x256xf32>, vector<1024x256xf32> -> vector<1024x256xf32>
    %add3A_55 = arith.addf %add3A_49, %dot_general3A_54 : vector<1024x256xf32>
    %get3A_56 = arith.constant 0 : index
    %get3A_57 = arith.constant 0 : index
    %get3A_58 = vector.load %arg11[%get3A_56, %get3A_57] : memref<256x384xf32, #tpu.memory_space<vmem>>, vector<256x384xf32>
    %dot_general3A_59 = arith.constant dense<0.000000e+00> : vector<1024x384xf32>
    %dot_general3A_60 = tpu.matmul %add3A_55, %get3A_58, %dot_general3A_59 {dimension_numbers = #tpu.dot_dimension_numbers<[1], [0], [0], [1], [0, 0, 1, 1], [], []>, transpose_lhs_hint = false} : vector<1024x256xf32>, vector<256x384xf32>, vector<1024x384xf32> -> vector<1024x384xf32>
    %get3A_61 = arith.constant 0 : index
    %get3A_62 = arith.constant 0 : index
    %get3A_63 = vector.load %arg12[%get3A_61, %get3A_62] : memref<1x384xf32, #tpu.memory_space<vmem>>, vector<1x384xf32>
    %add3A_64 = vector.broadcast %get3A_63 : vector<1x384xf32> to vector<1024x384xf32>
    %add3A_65 = arith.addf %dot_general3A_60, %add3A_64 : vector<1024x384xf32>
    %get3A_66 = arith.constant 0 : index
    %get3A_67 = arith.constant 0 : index
    %get3A_68 = vector.load %arg13[%get3A_66, %get3A_67] : memref<128x384xf32, #tpu.memory_space<vmem>>, vector<128x384xf32>
    %dot_general3A_69 = arith.constant dense<0.000000e+00> : vector<1024x384xf32>
    %dot_general3A_70 = tpu.matmul %get3A_1, %get3A_68, %dot_general3A_69 {dimension_numbers = #tpu.dot_dimension_numbers<[1], [0], [0], [1], [0, 0, 1, 1], [], []>, transpose_lhs_hint = false} : vector<1024x128xf32>, vector<128x384xf32>, vector<1024x384xf32> -> vector<1024x384xf32>
    %get3A_71 = arith.constant 0 : index
    %get3A_72 = arith.constant 0 : index
    %get3A_73 = vector.load %arg14[%get3A_71, %get3A_72] : memref<1x384xf32, #tpu.memory_space<vmem>>, vector<1x384xf32>
    %add3A_74 = vector.broadcast %get3A_73 : vector<1x384xf32> to vector<1024x384xf32>
    %add3A_75 = arith.addf %dot_general3A_70, %add3A_74 : vector<1024x384xf32>
    %slice3A = vector.extract_strided_slice %add3A_65 {offsets = [0, 0], sizes = [1024, 128], strides = [1, 1]} : vector<1024x384xf32> to vector<1024x128xf32>
    %slice3A_76 = vector.extract_strided_slice %add3A_75 {offsets = [0, 0], sizes = [1024, 128], strides = [1, 1]} : vector<1024x384xf32> to vector<1024x128xf32>
    %add3A_77 = arith.addf %slice3A, %slice3A_76 : vector<1024x128xf32>
    %logistic3A = arith.negf %add3A_77 : vector<1024x128xf32>
    %logistic3A_78 = math.exp %logistic3A : vector<1024x128xf32>
    %logistic3A_79 = arith.constant 1.000000e+00 : f32
    %logistic3A_80 = vector.broadcast %logistic3A_79 : f32 to vector<1024x128xf32>
    %logistic3A_81 = arith.addf %logistic3A_80, %logistic3A_78 : vector<1024x128xf32>
    %logistic3A_82 = arith.divf %logistic3A_80, %logistic3A_81 : vector<1024x128xf32>
    %slice3A_83 = vector.extract_strided_slice %add3A_65 {offsets = [0, 128], sizes = [1024, 128], strides = [1, 1]} : vector<1024x384xf32> to vector<1024x128xf32>
    %slice3A_84 = vector.extract_strided_slice %add3A_75 {offsets = [0, 128], sizes = [1024, 128], strides = [1, 1]} : vector<1024x384xf32> to vector<1024x128xf32>
    %add3A_85 = arith.addf %slice3A_83, %slice3A_84 : vector<1024x128xf32>
    %logistic3A_86 = arith.negf %add3A_85 : vector<1024x128xf32>
    %logistic3A_87 = math.exp %logistic3A_86 : vector<1024x128xf32>
    %logistic3A_88 = arith.constant 1.000000e+00 : f32
    %logistic3A_89 = vector.broadcast %logistic3A_88 : f32 to vector<1024x128xf32>
    %logistic3A_90 = arith.addf %logistic3A_89, %logistic3A_87 : vector<1024x128xf32>
    %logistic3A_91 = arith.divf %logistic3A_89, %logistic3A_90 : vector<1024x128xf32>
    %slice3A_92 = vector.extract_strided_slice %add3A_65 {offsets = [0, 256], sizes = [1024, 128], strides = [1, 1]} : vector<1024x384xf32> to vector<1024x128xf32>
    %slice3A_93 = vector.extract_strided_slice %add3A_75 {offsets = [0, 256], sizes = [1024, 128], strides = [1, 1]} : vector<1024x384xf32> to vector<1024x128xf32>
    %mul3A_94 = arith.mulf %logistic3A_82, %slice3A_93 : vector<1024x128xf32>
    %add3A_95 = arith.addf %slice3A_92, %mul3A_94 : vector<1024x128xf32>
    %tanh3A = math.tanh %add3A_95 : vector<1024x128xf32>
    %sub3A = arith.constant 1.000000e+00 : f32
    %sub3A_96 = vector.broadcast %sub3A : f32 to vector<1024x128xf32>
    %sub3A_97 = arith.subf %sub3A_96, %logistic3A_91 : vector<1024x128xf32>
    %mul3A_98 = arith.mulf %sub3A_97, %tanh3A : vector<1024x128xf32>
    %mul3A_99 = arith.mulf %logistic3A_91, %get3A_1 : vector<1024x128xf32>
    %add3A_100 = arith.addf %mul3A_98, %mul3A_99 : vector<1024x128xf32>
    %get3A_101 = arith.constant 0 : index
    %get3A_102 = arith.constant 0 : index
    %get3A_103 = vector.load %arg5[%get3A_101, %get3A_102] : memref<1024x16xi32, #tpu.memory_space<vmem>>, vector<1024x16xi32>
    %convert_element_type3A = arith.sitofp %get3A_103 : vector<1024x16xi32> to vector<1024x16xf32>
    %get3A_104 = arith.constant 0 : index
    %get3A_105 = arith.constant 0 : index
    %get3A_106 = vector.load %arg6[%get3A_104, %get3A_105] : memref<1x16xf32, #tpu.memory_space<vmem>>, vector<1x16xf32>
    %mul3A_107 = vector.broadcast %get3A_106 : vector<1x16xf32> to vector<1024x16xf32>
    %mul3A_108 = arith.mulf %convert_element_type3A, %mul3A_107 : vector<1024x16xf32>
    %reduce_sum3A = arith.constant dense<0.000000e+00> : vector<1024xf32>
    %reduce_sum3A_109 = vector.multi_reduction <add>, %mul3A_108, %reduce_sum3A [1] : vector<1024x16xf32> to vector<1024xf32>
    %broadcast_in_dim3A = vector.shape_cast %reduce_sum3A_109 : vector<1024xf32> to vector<1024x1xf32>
    %gt3A = arith.constant 0.000000e+00 : f32
    %gt3A_110 = vector.broadcast %gt3A : f32 to vector<1024x1xf32>
    %gt3A_111 = arith.cmpf ogt, %broadcast_in_dim3A, %gt3A_110 : vector<1024x1xf32>
    %broadcast_in_dim3A_112 = vector.shape_cast %gt3A_111 : vector<1024x1xi1> to vector<1024x1xi1>
    %broadcast_in_dim3A_113 = vector.broadcast %broadcast_in_dim3A_112 : vector<1024x1xi1> to vector<1024x128xi1>
    %select_n3A = arith.select %broadcast_in_dim3A_113, %add3A_100, %get3A_1 : vector<1024x128xi1>, vector<1024x128xf32>
    %get3A_114 = arith.constant 0 : index
    %get3A_115 = arith.constant 0 : index
    %get3A_116 = vector.load %arg17[%get3A_114, %get3A_115] : memref<128x128xf32, #tpu.memory_space<vmem>>, vector<128x128xf32>
    %dot_general3A_117 = arith.constant dense<0.000000e+00> : vector<1024x128xf32>
    %dot_general3A_118 = tpu.matmul %select_n3A, %get3A_116, %dot_general3A_117 {dimension_numbers = #tpu.dot_dimension_numbers<[1], [0], [0], [1], [0, 0, 1, 1], [], []>, transpose_lhs_hint = false} : vector<1024x128xf32>, vector<128x128xf32>, vector<1024x128xf32> -> vector<1024x128xf32>
    %get3A_119 = arith.constant 0 : index
    %get3A_120 = arith.constant 0 : index
    %get3A_121 = vector.load %arg18[%get3A_119, %get3A_120] : memref<1x128xf32, #tpu.memory_space<vmem>>, vector<1x128xf32>
    %add3A_122 = vector.broadcast %get3A_121 : vector<1x128xf32> to vector<1024x128xf32>
    %add3A_123 = arith.addf %dot_general3A_118, %add3A_122 : vector<1024x128xf32>
    %logistic3A_124 = arith.negf %add3A_123 : vector<1024x128xf32>
    %logistic3A_125 = math.exp %logistic3A_124 : vector<1024x128xf32>
    %logistic3A_126 = arith.constant 1.000000e+00 : f32
    %logistic3A_127 = vector.broadcast %logistic3A_126 : f32 to vector<1024x128xf32>
    %logistic3A_128 = arith.addf %logistic3A_127, %logistic3A_125 : vector<1024x128xf32>
    %logistic3A_129 = arith.divf %logistic3A_127, %logistic3A_128 : vector<1024x128xf32>
    %get3A_130 = arith.constant 0 : index
    %get3A_131 = arith.constant 0 : index
    %get3A_132 = vector.load %arg19[%get3A_130, %get3A_131] : memref<128x128xf32, #tpu.memory_space<vmem>>, vector<128x128xf32>
    %dot_general3A_133 = arith.constant dense<0.000000e+00> : vector<1024x128xf32>
    %dot_general3A_134 = tpu.matmul %select_n3A, %get3A_132, %dot_general3A_133 {dimension_numbers = #tpu.dot_dimension_numbers<[1], [0], [0], [1], [0, 0, 1, 1], [], []>, transpose_lhs_hint = false} : vector<1024x128xf32>, vector<128x128xf32>, vector<1024x128xf32> -> vector<1024x128xf32>
    %get3A_135 = arith.constant 0 : index
    %get3A_136 = arith.constant 0 : index
    %get3A_137 = vector.load %arg20[%get3A_135, %get3A_136] : memref<1x128xf32, #tpu.memory_space<vmem>>, vector<1x128xf32>
    %add3A_138 = vector.broadcast %get3A_137 : vector<1x128xf32> to vector<1024x128xf32>
    %add3A_139 = arith.addf %dot_general3A_134, %add3A_138 : vector<1024x128xf32>
    %mul3A_140 = arith.mulf %add3A_139, %logistic3A_129 : vector<1024x128xf32>
    %get3A_141 = arith.constant 0 : index
    %get3A_142 = arith.constant 0 : index
    %get3A_143 = vector.load %arg15[%get3A_141, %get3A_142] : memref<16x1024xi32, #tpu.memory_space<vmem>>, vector<16x1024xi32>
    %eq3A = arith.constant 0 : i32
    %eq3A_144 = arith.cmpi eq, %arg0, %eq3A : i32
    %convert_element_type3A_145 = arith.extui %eq3A_144 : i1 to i32
    %cond3A = arith.constant 0 : i32
    %cond3A_146 = arith.cmpi ne, %convert_element_type3A_145, %cond3A : i32
    scf.if %cond3A_146 {
      %broadcast_in_dim3A_261 = arith.constant 0.000000e+00 : f32
      %broadcast_in_dim3A_262 = vector.broadcast %broadcast_in_dim3A_261 : f32 to vector<16x128xf32>
      %swap3A_263 = arith.constant 0 : index
      %swap3A_264 = arith.constant 0 : index
      %swap3A_265 = vector.load %arg28[%swap3A_263, %swap3A_264] : memref<16x128xf32, #tpu.memory_space<vmem>>, vector<16x128xf32>
      tpu.vector_store %arg28[%swap3A_263, %swap3A_264], %broadcast_in_dim3A_262 {strides = array<i32>} : memref<16x128xf32, #tpu.memory_space<vmem>>, vector<16x128xf32>,
    } else {
    }
    %get3A_147 = arith.constant 0 : index
    %get3A_148 = arith.constant 0 : index
    %get3A_149 = vector.load %arg28[%get3A_147, %get3A_148] : memref<16x128xf32, #tpu.memory_space<vmem>>, vector<16x128xf32>
    %convert_element_type3A_150 = arith.sitofp %get3A_143 : vector<16x1024xi32> to vector<16x1024xf32>
    %dot_general3A_151 = arith.constant dense<0.000000e+00> : vector<16x128xf32>
    %dot_general3A_152 = tpu.matmul %convert_element_type3A_150, %mul3A_140, %dot_general3A_151 {dimension_numbers = #tpu.dot_dimension_numbers<[1], [0], [0], [1], [0, 0, 1, 1], [], []>, transpose_lhs_hint = false} : vector<16x1024xf32>, vector<1024x128xf32>, vector<16x128xf32> -> vector<16x128xf32>
    %add3A_153 = arith.addf %get3A_149, %dot_general3A_152 : vector<16x128xf32>
    %swap3A = arith.constant 0 : index
    %swap3A_154 = arith.constant 0 : index
    %swap3A_155 = vector.load %arg28[%swap3A, %swap3A_154] : memref<16x128xf32, #tpu.memory_space<vmem>>, vector<16x128xf32>
    tpu.vector_store %arg28[%swap3A, %swap3A_154], %add3A_153 {strides = array<i32>} : memref<16x128xf32, #tpu.memory_space<vmem>>, vector<16x128xf32>,
    %get3A_156 = arith.constant 0 : index
    %get3A_157 = arith.constant 0 : index
    %get3A_158 = vector.load %arg21[%get3A_156, %get3A_157] : memref<8x128xf32, #tpu.memory_space<vmem>>, vector<8x128xf32>
    %dot_general3A_159 = arith.constant dense<0.000000e+00> : vector<8x1024xf32>
    %dot_general3A_160 = tpu.matmul %get3A_158, %select_n3A, %dot_general3A_159 {dimension_numbers = #tpu.dot_dimension_numbers<[1], [1], [0], [0], [0, 0, 1, 0], [], []>, transpose_lhs_hint = false} : vector<8x128xf32>, vector<1024x128xf32>, vector<8x1024xf32> -> vector<8x1024xf32>
    %get3A_161 = arith.constant 0 : index
    %get3A_162 = arith.constant 0 : index
    %get3A_163 = vector.load %arg16[%get3A_161, %get3A_162] : memref<16x128xf32, #tpu.memory_space<vmem>>, vector<16x128xf32>
    %get3A_164 = arith.constant 0 : index
    %get3A_165 = arith.constant 0 : index
    %get3A_166 = vector.load %arg23[%get3A_164, %get3A_165] : memref<128x8xf32, #tpu.memory_space<vmem>>, vector<128x8xf32>
    %dot_general3A_167 = arith.constant dense<0.000000e+00> : vector<16x8xf32>
    %dot_general3A_168 = tpu.matmul %get3A_163, %get3A_166, %dot_general3A_167 {dimension_numbers = #tpu.dot_dimension_numbers<[1], [0], [0], [1], [0, 0, 1, 1], [], []>, transpose_lhs_hint = false} : vector<16x128xf32>, vector<128x8xf32>, vector<16x8xf32> -> vector<16x8xf32>
    %slice3A_169 = vector.extract_strided_slice %dot_general3A_160 {offsets = [0, 0], sizes = [1, 1024], strides = [1, 1]} : vector<8x1024xf32> to vector<1x1024xf32>
    %get3A_170 = arith.constant 0 : index
    %get3A_171 = arith.constant 0 : index
    %get3A_172 = vector.load %arg22[%get3A_170, %get3A_171] : memref<1x8xf32, #tpu.memory_space<vmem>>, vector<1x1xf32>
    %add3A_173 = vector.broadcast %get3A_172 : vector<1x1xf32> to vector<1x1024xf32>
    %add3A_174 = arith.addf %slice3A_169, %add3A_173 : vector<1x1024xf32>
    %slice3A_175 = vector.extract_strided_slice %dot_general3A_168 {offsets = [0, 0], sizes = [16, 1], strides = [1, 1]} : vector<16x8xf32> to vector<16x1xf32>
    %add3A_176 = vector.broadcast %add3A_174 : vector<1x1024xf32> to vector<16x1024xf32>
    %add3A_177 = vector.broadcast %slice3A_175 : vector<16x1xf32> to vector<16x1024xf32>
    %add3A_178 = arith.addf %add3A_176, %add3A_177 : vector<16x1024xf32>
    %gt3A_179 = arith.constant 0 : i32
    %gt3A_180 = vector.broadcast %gt3A_179 : i32 to vector<16x1024xi32>
    %gt3A_181 = arith.cmpi sgt, %get3A_143, %gt3A_180 : vector<16x1024xi32>
    %jit3A = arith.constant -1.000000e+09 : f32
    %broadcast_in_dim3A_182 = vector.broadcast %jit3A : f32 to vector<16x1024xf32>
    %select_n3A_183 = arith.select %gt3A_181, %add3A_178, %broadcast_in_dim3A_182 : vector<16x1024xi1>, vector<16x1024xf32>
    %swap3A_184 = arith.constant 0 : index
    %swap3A_185 = arith.constant 0 : index
    %swap3A_186 = arith.constant 0 : index
    %swap3A_187 = vector.load %arg27[%swap3A_184, %swap3A_185, %swap3A_186] : memref<4x16x1024xf32, #tpu.memory_space<vmem>>, vector<1x16x1024xf32>
    %swap3A_188 = vector.shape_cast %swap3A_187 : vector<1x16x1024xf32> to vector<16x1024xf32>
    %swap3A_189 = vector.shape_cast %select_n3A_183 : vector<16x1024xf32> to vector<1x16x1024xf32>
    tpu.vector_store %arg27[%swap3A_184, %swap3A_185, %swap3A_186], %swap3A_189 {strides = array<i32>} : memref<4x16x1024xf32, #tpu.memory_space<vmem>>, vector<1x16x1024xf32>,
    %slice3A_190 = vector.extract_strided_slice %dot_general3A_160 {offsets = [1, 0], sizes = [1, 1024], strides = [1, 1]} : vector<8x1024xf32> to vector<1x1024xf32>
    %get3A_191 = arith.constant 0 : index
    %get3A_192 = arith.constant 1 : index
    %get3A_193 = vector.load %arg22[%get3A_191, %get3A_192] : memref<1x8xf32, #tpu.memory_space<vmem>>, vector<1x1xf32>
    %add3A_194 = vector.broadcast %get3A_193 : vector<1x1xf32> to vector<1x1024xf32>
    %add3A_195 = arith.addf %slice3A_190, %add3A_194 : vector<1x1024xf32>
    %slice3A_196 = vector.extract_strided_slice %dot_general3A_168 {offsets = [0, 1], sizes = [16, 1], strides = [1, 1]} : vector<16x8xf32> to vector<16x1xf32>
    %add3A_197 = vector.broadcast %add3A_195 : vector<1x1024xf32> to vector<16x1024xf32>
    %add3A_198 = vector.broadcast %slice3A_196 : vector<16x1xf32> to vector<16x1024xf32>
    %add3A_199 = arith.addf %add3A_197, %add3A_198 : vector<16x1024xf32>
    %gt3A_200 = arith.constant 0 : i32
    %gt3A_201 = vector.broadcast %gt3A_200 : i32 to vector<16x1024xi32>
    %gt3A_202 = arith.cmpi sgt, %get3A_143, %gt3A_201 : vector<16x1024xi32>
    %jit3A_203 = arith.constant -1.000000e+09 : f32
    %broadcast_in_dim3A_204 = vector.broadcast %jit3A_203 : f32 to vector<16x1024xf32>
    %select_n3A_205 = arith.select %gt3A_202, %add3A_199, %broadcast_in_dim3A_204 : vector<16x1024xi1>, vector<16x1024xf32>
    %swap3A_206 = arith.constant 1 : index
    %swap3A_207 = arith.constant 0 : index
    %swap3A_208 = arith.constant 0 : index
    %swap3A_209 = vector.load %arg27[%swap3A_206, %swap3A_207, %swap3A_208] : memref<4x16x1024xf32, #tpu.memory_space<vmem>>, vector<1x16x1024xf32>
    %swap3A_210 = vector.shape_cast %swap3A_209 : vector<1x16x1024xf32> to vector<16x1024xf32>
    %swap3A_211 = vector.shape_cast %select_n3A_205 : vector<16x1024xf32> to vector<1x16x1024xf32>
    tpu.vector_store %arg27[%swap3A_206, %swap3A_207, %swap3A_208], %swap3A_211 {strides = array<i32>} : memref<4x16x1024xf32, #tpu.memory_space<vmem>>, vector<1x16x1024xf32>,
    %slice3A_212 = vector.extract_strided_slice %dot_general3A_160 {offsets = [2, 0], sizes = [1, 1024], strides = [1, 1]} : vector<8x1024xf32> to vector<1x1024xf32>
    %get3A_213 = arith.constant 0 : index
    %get3A_214 = arith.constant 2 : index
    %get3A_215 = vector.load %arg22[%get3A_213, %get3A_214] : memref<1x8xf32, #tpu.memory_space<vmem>>, vector<1x1xf32>
    %add3A_216 = vector.broadcast %get3A_215 : vector<1x1xf32> to vector<1x1024xf32>
    %add3A_217 = arith.addf %slice3A_212, %add3A_216 : vector<1x1024xf32>
    %slice3A_218 = vector.extract_strided_slice %dot_general3A_168 {offsets = [0, 2], sizes = [16, 1], strides = [1, 1]} : vector<16x8xf32> to vector<16x1xf32>
    %add3A_219 = vector.broadcast %add3A_217 : vector<1x1024xf32> to vector<16x1024xf32>
    %add3A_220 = vector.broadcast %slice3A_218 : vector<16x1xf32> to vector<16x1024xf32>
    %add3A_221 = arith.addf %add3A_219, %add3A_220 : vector<16x1024xf32>
    %gt3A_222 = arith.constant 0 : i32
    %gt3A_223 = vector.broadcast %gt3A_222 : i32 to vector<16x1024xi32>
    %gt3A_224 = arith.cmpi sgt, %get3A_143, %gt3A_223 : vector<16x1024xi32>
    %jit3A_225 = arith.constant -1.000000e+09 : f32
    %broadcast_in_dim3A_226 = vector.broadcast %jit3A_225 : f32 to vector<16x1024xf32>
    %select_n3A_227 = arith.select %gt3A_224, %add3A_221, %broadcast_in_dim3A_226 : vector<16x1024xi1>, vector<16x1024xf32>
    %swap3A_228 = arith.constant 2 : index
    %swap3A_229 = arith.constant 0 : index
    %swap3A_230 = arith.constant 0 : index
    %swap3A_231 = vector.load %arg27[%swap3A_228, %swap3A_229, %swap3A_230] : memref<4x16x1024xf32, #tpu.memory_space<vmem>>, vector<1x16x1024xf32>
    %swap3A_232 = vector.shape_cast %swap3A_231 : vector<1x16x1024xf32> to vector<16x1024xf32>
    %swap3A_233 = vector.shape_cast %select_n3A_227 : vector<16x1024xf32> to vector<1x16x1024xf32>
    tpu.vector_store %arg27[%swap3A_228, %swap3A_229, %swap3A_230], %swap3A_233 {strides = array<i32>} : memref<4x16x1024xf32, #tpu.memory_space<vmem>>, vector<1x16x1024xf32>,
    %slice3A_234 = vector.extract_strided_slice %dot_general3A_160 {offsets = [3, 0], sizes = [1, 1024], strides = [1, 1]} : vector<8x1024xf32> to vector<1x1024xf32>
    %get3A_235 = arith.constant 0 : index
    %get3A_236 = arith.constant 3 : index
    %get3A_237 = vector.load %arg22[%get3A_235, %get3A_236] : memref<1x8xf32, #tpu.memory_space<vmem>>, vector<1x1xf32>
    %add3A_238 = vector.broadcast %get3A_237 : vector<1x1xf32> to vector<1x1024xf32>
    %add3A_239 = arith.addf %slice3A_234, %add3A_238 : vector<1x1024xf32>
    %slice3A_240 = vector.extract_strided_slice %dot_general3A_168 {offsets = [0, 3], sizes = [16, 1], strides = [1, 1]} : vector<16x8xf32> to vector<16x1xf32>
    %add3A_241 = vector.broadcast %add3A_239 : vector<1x1024xf32> to vector<16x1024xf32>
    %add3A_242 = vector.broadcast %slice3A_240 : vector<16x1xf32> to vector<16x1024xf32>
    %add3A_243 = arith.addf %add3A_241, %add3A_242 : vector<16x1024xf32>
    %gt3A_244 = arith.constant 0 : i32
    %gt3A_245 = vector.broadcast %gt3A_244 : i32 to vector<16x1024xi32>
    %gt3A_246 = arith.cmpi sgt, %get3A_143, %gt3A_245 : vector<16x1024xi32>
    %jit3A_247 = arith.constant -1.000000e+09 : f32
    %broadcast_in_dim3A_248 = vector.broadcast %jit3A_247 : f32 to vector<16x1024xf32>
    %select_n3A_249 = arith.select %gt3A_246, %add3A_243, %broadcast_in_dim3A_248 : vector<16x1024xi1>, vector<16x1024xf32>
    %swap3A_250 = arith.constant 3 : index
    %swap3A_251 = arith.constant 0 : index
    %swap3A_252 = arith.constant 0 : index
    %swap3A_253 = vector.load %arg27[%swap3A_250, %swap3A_251, %swap3A_252] : memref<4x16x1024xf32, #tpu.memory_space<vmem>>, vector<1x16x1024xf32>
    %swap3A_254 = vector.shape_cast %swap3A_253 : vector<1x16x1024xf32> to vector<16x1024xf32>
    %swap3A_255 = vector.shape_cast %select_n3A_249 : vector<16x1024xf32> to vector<1x16x1024xf32>
    tpu.vector_store %arg27[%swap3A_250, %swap3A_251, %swap3A_252], %swap3A_255 {strides = array<i32>} : memref<4x16x1024xf32, #tpu.memory_space<vmem>>, vector<1x16x1024xf32>,
    %eq3A_256 = arith.constant 9 : i32
    %eq3A_257 = arith.cmpi eq, %arg0, %eq3A_256 : i32
    %convert_element_type3A_258 = arith.extui %eq3A_257 : i1 to i32
    %cond3A_259 = arith.constant 0 : i32
    %cond3A_260 = arith.cmpi ne, %convert_element_type3A_258, %cond3A_259 : i32
    scf.if %cond3A_260 {
      %get3A_261 = arith.constant 0 : index
      %get3A_262 = arith.constant 0 : index
      %get3A_263 = vector.load %arg28[%get3A_261, %get3A_262] : memref<16x128xf32, #tpu.memory_space<vmem>>, vector<16x128xf32>
      %get3A_264 = arith.constant 0 : index
      %get3A_265 = arith.constant 0 : index
      %get3A_266 = vector.load %arg24[%get3A_264, %get3A_265] : memref<128x8xf32, #tpu.memory_space<vmem>>, vector<128x8xf32>
      %dot_general3A_267 = arith.constant dense<0.000000e+00> : vector<16x8xf32>
      %dot_general3A_268 = tpu.matmul %get3A_263, %get3A_266, %dot_general3A_267 {dimension_numbers = #tpu.dot_dimension_numbers<[1], [0], [0], [1], [0, 0, 1, 1], [], []>, transpose_lhs_hint = false} : vector<16x128xf32>, vector<128x8xf32>, vector<16x8xf32> -> vector<16x8xf32>
      %get3A_269 = arith.constant 0 : index
      %get3A_270 = arith.constant 0 : index
      %get3A_271 = vector.load %arg16[%get3A_269, %get3A_270] : memref<16x128xf32, #tpu.memory_space<vmem>>, vector<16x128xf32>
      %get3A_272 = arith.constant 0 : index
      %get3A_273 = arith.constant 0 : index
      %get3A_274 = vector.load %arg26[%get3A_272, %get3A_273] : memref<128x8xf32, #tpu.memory_space<vmem>>, vector<128x8xf32>
      %dot_general3A_275 = arith.constant dense<0.000000e+00> : vector<16x8xf32>
      %dot_general3A_276 = tpu.matmul %get3A_271, %get3A_274, %dot_general3A_275 {dimension_numbers = #tpu.dot_dimension_numbers<[1], [0], [0], [1], [0, 0, 1, 1], [], []>, transpose_lhs_hint = false} : vector<16x128xf32>, vector<128x8xf32>, vector<16x8xf32> -> vector<16x8xf32>
      %add3A_277 = arith.addf %dot_general3A_268, %dot_general3A_276 : vector<16x8xf32>
      %get3A_278 = arith.constant 0 : index
      %get3A_279 = arith.constant 0 : index
      %get3A_280 = vector.load %arg25[%get3A_278, %get3A_279] : memref<1x8xf32, #tpu.memory_space<vmem>>, vector<1x8xf32>
      %add3A_281 = vector.broadcast %get3A_280 : vector<1x8xf32> to vector<16x8xf32>
      %add3A_282 = arith.addf %add3A_277, %add3A_281 : vector<16x8xf32>
      %swap3A_283 = arith.constant 0 : index
      %swap3A_284 = arith.constant 0 : index
      %swap3A_285 = vector.load %arg29[%swap3A_283, %swap3A_284] : memref<16x8xf32, #tpu.memory_space<vmem>>, vector<16x8xf32>
      tpu.vector_store %arg29[%swap3A_283, %swap3A_284], %add3A_282 {strides = array<i32>} : memref<16x8xf32, #tpu.memory_space<vmem>>, vector<16x8xf32>,
    } else {
    }
    return
  }
  func.func @transform_0(%arg0: i32) -> (i32, i32) {
    %c0_i32 = arith.constant 0 : i32
    %c0_i32_0 = arith.constant 0 : i32
    return %arg0, %c0_i32 : i32, i32
  }
  func.func @transform_1(%arg0: i32) -> (i32, i32, i32) {
    %c0_i32 = arith.constant 0 : i32
    %c0_i32_0 = arith.constant 0 : i32
    %c0_i32_1 = arith.constant 0 : i32
    return %c0_i32, %arg0, %c0_i32_0 : i32, i32, i32
  }
  func.func @transform_2(%arg0: i32) -> (i32, i32, i32) {
    %c0_i32 = arith.constant 0 : i32
    %c0_i32_0 = arith.constant 0 : i32
    %c0_i32_1 = arith.constant 0 : i32
    return %c0_i32, %arg0, %c0_i32_0 : i32, i32, i32
  }
  func.func @transform_3(%arg0: i32) -> (i32, i32, i32) {
    %c0_i32 = arith.constant 0 : i32
    %c0_i32_0 = arith.constant 0 : i32
    %c0_i32_1 = arith.constant 0 : i32
    return %c0_i32, %arg0, %c0_i32_0 : i32, i32, i32
  }
  func.func @transform_4(%arg0: i32) -> (i32, i32) {
    %c0_i32 = arith.constant 0 : i32
    %c0_i32_0 = arith.constant 0 : i32
    return %arg0, %c0_i32 : i32, i32
  }
  func.func @transform_5(%arg0: i32) -> (i32, i32) {
    %c0_i32 = arith.constant 0 : i32
    %c0_i32_0 = arith.constant 0 : i32
    %c0_i32_1 = arith.constant 0 : i32
    return %c0_i32, %c0_i32_0 : i32, i32
  }
  func.func @transform_6(%arg0: i32) -> (i32, i32) {
    %c0_i32 = arith.constant 0 : i32
    %c0_i32_0 = arith.constant 0 : i32
    %c0_i32_1 = arith.constant 0 : i32
    return %c0_i32, %c0_i32_0 : i32, i32
  }
  func.func @transform_7(%arg0: i32) -> (i32, i32) {
    %c0_i32 = arith.constant 0 : i32
    %c0_i32_0 = arith.constant 0 : i32
    %c0_i32_1 = arith.constant 0 : i32
    return %c0_i32, %c0_i32_0 : i32, i32
  }
  func.func @transform_8(%arg0: i32) -> (i32, i32) {
    %c0_i32 = arith.constant 0 : i32
    %c0_i32_0 = arith.constant 0 : i32
    %c0_i32_1 = arith.constant 0 : i32
    return %c0_i32, %c0_i32_0 : i32, i32
  }
  func.func @transform_9(%arg0: i32) -> (i32, i32) {
    %c0_i32 = arith.constant 0 : i32
    %c0_i32_0 = arith.constant 0 : i32
    %c0_i32_1 = arith.constant 0 : i32
    return %c0_i32, %c0_i32_0 : i32, i32
  }
  func.func @transform_10(%arg0: i32) -> (i32, i32) {
    %c0_i32 = arith.constant 0 : i32
    %c0_i32_0 = arith.constant 0 : i32
    %c0_i32_1 = arith.constant 0 : i32
    return %c0_i32, %c0_i32_0 : i32, i32
  }
  func.func @transform_11(%arg0: i32) -> (i32, i32) {
    %c0_i32 = arith.constant 0 : i32
    %c0_i32_0 = arith.constant 0 : i32
    %c0_i32_1 = arith.constant 0 : i32
    return %c0_i32, %c0_i32_0 : i32, i32
  }
  func.func @transform_12(%arg0: i32) -> (i32, i32) {
    %c0_i32 = arith.constant 0 : i32
    %c0_i32_0 = arith.constant 0 : i32
    %c0_i32_1 = arith.constant 0 : i32
    return %c0_i32, %c0_i32_0 : i32, i32
  }
  func.func @transform_13(%arg0: i32) -> (i32, i32) {
    %c0_i32 = arith.constant 0 : i32
    %c0_i32_0 = arith.constant 0 : i32
    %c0_i32_1 = arith.constant 0 : i32
    return %c0_i32, %c0_i32_0 : i32, i32
  }
  func.func @transform_14(%arg0: i32) -> (i32, i32) {
    %c0_i32 = arith.constant 0 : i32
    %c0_i32_0 = arith.constant 0 : i32
    return %c0_i32, %arg0 : i32, i32
  }
  func.func @transform_15(%arg0: i32) -> (i32, i32) {
    %c0_i32 = arith.constant 0 : i32
    %c0_i32_0 = arith.constant 0 : i32
    %c0_i32_1 = arith.constant 0 : i32
    return %c0_i32, %c0_i32_0 : i32, i32
  }
  func.func @transform_16(%arg0: i32) -> (i32, i32) {
    %c0_i32 = arith.constant 0 : i32
    %c0_i32_0 = arith.constant 0 : i32
    %c0_i32_1 = arith.constant 0 : i32
    return %c0_i32, %c0_i32_0 : i32, i32
  }
  func.func @transform_17(%arg0: i32) -> (i32, i32) {
    %c0_i32 = arith.constant 0 : i32
    %c0_i32_0 = arith.constant 0 : i32
    %c0_i32_1 = arith.constant 0 : i32
    return %c0_i32, %c0_i32_0 : i32, i32
  }
  func.func @transform_18(%arg0: i32) -> (i32, i32) {
    %c0_i32 = arith.constant 0 : i32
    %c0_i32_0 = arith.constant 0 : i32
    %c0_i32_1 = arith.constant 0 : i32
    return %c0_i32, %c0_i32_0 : i32, i32
  }
  func.func @transform_19(%arg0: i32) -> (i32, i32) {
    %c0_i32 = arith.constant 0 : i32
    %c0_i32_0 = arith.constant 0 : i32
    %c0_i32_1 = arith.constant 0 : i32
    return %c0_i32, %c0_i32_0 : i32, i32
  }
  func.func @transform_20(%arg0: i32) -> (i32, i32) {
    %c0_i32 = arith.constant 0 : i32
    %c0_i32_0 = arith.constant 0 : i32
    %c0_i32_1 = arith.constant 0 : i32
    return %c0_i32, %c0_i32_0 : i32, i32
  }
  func.func @transform_21(%arg0: i32) -> (i32, i32) {
    %c0_i32 = arith.constant 0 : i32
    %c0_i32_0 = arith.constant 0 : i32
    %c0_i32_1 = arith.constant 0 : i32
    return %c0_i32, %c0_i32_0 : i32, i32
  }
  func.func @transform_22(%arg0: i32) -> (i32, i32) {
    %c0_i32 = arith.constant 0 : i32
    %c0_i32_0 = arith.constant 0 : i32
    %c0_i32_1 = arith.constant 0 : i32
    return %c0_i32, %c0_i32_0 : i32, i32
  }
  func.func @transform_23(%arg0: i32) -> (i32, i32) {
    %c0_i32 = arith.constant 0 : i32
    %c0_i32_0 = arith.constant 0 : i32
    %c0_i32_1 = arith.constant 0 : i32
    return %c0_i32, %c0_i32_0 : i32, i32
  }
  func.func @transform_24(%arg0: i32) -> (i32, i32) {
    %c0_i32 = arith.constant 0 : i32
    %c0_i32_0 = arith.constant 0 : i32
    %c0_i32_1 = arith.constant 0 : i32
    return %c0_i32, %c0_i32_0 : i32, i32
  }
  func.func @transform_25(%arg0: i32) -> (i32, i32) {
    %c0_i32 = arith.constant 0 : i32
    %c0_i32_0 = arith.constant 0 : i32
    %c0_i32_1 = arith.constant 0 : i32
    return %c0_i32, %c0_i32_0 : i32, i32
  }
  func.func @transform_26(%arg0: i32) -> (i32, i32, i32) {
    %c0_i32 = arith.constant 0 : i32
    %c0_i32_0 = arith.constant 0 : i32
    %c0_i32_1 = arith.constant 0 : i32
    return %c0_i32, %c0_i32_0, %arg0 : i32, i32, i32
  }
  func.func @transform_27(%arg0: i32) -> (i32, i32) {
    %c0_i32 = arith.constant 0 : i32
    %c0_i32_0 = arith.constant 0 : i32
    %c0_i32_1 = arith.constant 0 : i32
    return %c0_i32, %c0_i32_0 : i32, i32
  }
  func.func @transform_28(%arg0: i32) -> (i32, i32) {
    %c0_i32 = arith.constant 0 : i32
    %c0_i32_0 = arith.constant 0 : i32
    %c0_i32_1 = arith.constant 0 : i32
    return %c0_i32, %c0_i32_0 : i32, i32
  }
}

</mosaic_0001>

<sc_bundles>
// kernel: kernel.6.cloned.1.call-start
scs
__scs_entry_jumppad:
0x0: {  	(pc) =	sbr.rel $0x88, $3  }
0x1: {  	(tag) =	ssettag $0x0;
	lr =	simm.s32 $0x1  }
0x2: {  	[smem:$0x3F80] =	sst lr;
	_ =	strace $0xD0000000  }
0x3: {  	_ = 	snop  }
0x4: {  	_ = 	snop  }
0x5: {  	_ = 	snop  }
0x6: {  	_ = 	snop  }
0x7: {  	_ = 	snop  }
__scs_overlays_trampoline_lowered:
0x8: {  	[smem:$0x3F8F] =	sst s0  }
0x9: {  	[smem:$0x3F90] =	sst s1  }
0xa: {  	[smem:$0x3F91] =	sst s2  }
0xb: {  	[smem:$0x3F92] =	sst s3  }
0xc: {  	[smem:$0x3F93] =	sst s4  }
0xd: {  	[smem:$0x3F94] =	sst s5  }
0xe: {  	[smem:$0x3F95] =	sst s6  }
0xf: {  	[smem:$0x3F96] =	sst s7  }
0x10: {  	[smem:$0x3F97] =	sst s8  }
0x11: {  	[smem:$0x3F98] =	sst s9;
	s0 =	simm.s32 @!p0 $0x0  }
0x12: {  	s1 =	sld [smem:$0x3F7E];
	s0 =	simm.s32 @p0 $0x1  }
0x13: {  	[smem:$0x3F99] =	sst s0;
	s0 =	simm.s32 @!p1 $0x0  }
0x14: {  	s2 =	sld [smem:$0x3F7D];
	s0 =	simm.s32 @p1 $0x1  }
0x15: {  	[smem:$0x3F9A] =	sst s0;
	s0 =	simm.s32 @!p2 $0x0  }
0x16: {  	s3 =	sld [smem:$0x3FDB];
	s0 =	simm.s32 @p2 $0x1  }
0x17: {  	s4 =	simm.s32 $0x1BF5;
	[smem:$0x3F9C] =	sst s0  }
0x18: {  	s0 =	sld [smem:$0x3F7F];
	_ =	swait.ge [sflag:s4], $0x0  }
0x19: {  	s7 =	sld [smem:$0x3F80]  }
0x1a: {  	s8 =	sadd.s32 $0xFFFFE003, lr  }
0x1b: {  	s9 =	sadd.s32 $0xFFFFFEF7, lr;
	s5 =	simm.s32 $0xFFFFFFFF;
	p2 =	slt.u32 s8, $0xFFFFF086  }
0x1c: {  	p1 =	slt.u32 s9, $0xF7A;
	s5 =	simm.s32 @!p2 $0x0  }
0x1d: {  	s5 =	simm.s32 @p1 $0x1;
	p0 =	seq.s32 s7, s2  }
0x1e: {  	s7 =	smul.u32 @!p0 $0xF7A, s2;
	p2 =	seq.s32 @!p0 s5, $0x0  }
0x1f: {  	s9 =	smul.u32 $0xF7A, s1;
	s8 =	simm.s32 @!p0 $0x1BF5;
	p2 =	por !p2, p0  }
0x20: {  	[sflag:s8] =	ssyncset.s32 @!p0 $0xFFFFF086;
	s6 =	sadd.s32 @!p0 s3, s7;
	s7 =	simm.s32 @!p0 $0x108  }
0x21: {  	s3 =	sadd.s32 s3, s9;
	s6 =	sadd.s32 @!p0 $0x88, s6;
	s7 =	simm.s32 @p2 $0x1082  }
0x22: {  	[simem:s7], [sflag:s8] =	dma.local @!p0 [hbm:s6], $0xF7A  }
0x23: {  	s9 =	sor.u32 $0xD0000000, s2;
	s6 =	simm.s32 $0x108;
	_ =	swait.ge @!p0 [sflag:s8], $0x0  }
0x24: {  	s3 =	sadd.s32 $0x88, s3;
	s6 =	simm.s32 @!p1 $0x1082;
	[sflag:s4] =	ssyncset.s32 $0xFFFFF086  }
0x25: {  	[simem:s6], [sflag:s4] =	dma.local [hbm:s3], $0xF7A  }
0x26: {  	[smem:$0x3F80] =	sst s1;
	(tag) =	ssettag s2;
	_ =	strace s9  }
0x27: {  	s1 =	sld [smem:$0x3F90]  }
0x28: {  	s2 =	sld [smem:$0x3F91]  }
0x29: {  	s4 =	sld [smem:$0x3F93]  }
0x2a: {  	p0 =	seq.s32 s5, $0x0;
	s5 =	sld [smem:$0x3F94]  }
0x2b: {  	s6 =	sld [smem:$0x3F95]  }
0x2c: {  	s7 =	sld [smem:$0x3F96]  }
0x2d: {  	s3 =	simm.s32 $0x108;
	s8 =	sld [smem:$0x3F97]  }
0x2e: {  	s3 =	simm.s32 @!p0 $0x1082;
	s9 =	sld [smem:$0x3F98]  }
0x2f: {  	lr =	sadd.s32 s0, s3;
	s0 =	sld [smem:$0x3F8F]  }
0x30: {  	s3 =	sld [smem:$0x3F92]  }
0x31: {  	[smem:$0x3F9B] =	sst s10  }
0x32: {  	s10 =	sld [smem:$0x3F99];
	_ =	sdelay $0x3  }
0x33: {  	p0 =	seq.s32 s10, $0x1;
	s10 =	sld [smem:$0x3F9B];
	_ =	sdelay $0x3  }
0x34: {  	[smem:$0x3F9B] =	sst s10  }
0x35: {  	s10 =	sld [smem:$0x3F9A];
	_ =	sdelay $0x3  }
0x36: {  	p1 =	seq.s32 s10, $0x1;
	s10 =	sld [smem:$0x3F9B];
	_ =	sdelay $0x3  }
0x37: {  	[smem:$0x3F9B] =	sst s10  }
0x38: {  	s10 =	sld [smem:$0x3F9C]  }
0x39: {  	_ = 	snop;
	(pc) =	sbr.ind lr, $3  }
0x3a: {  	_ = 	snop  }
0x3b: {  	_ = 	snop  }
0x3c: {  	p2 =	seq.s32 s10, $0x1;
	s10 =	sld [smem:$0x3F9B]  }
0x3d: {  	_ =	shalt  }
0x3e: {  	_ =	shalt  }
0x3f: {  	_ =	shalt  }
0x40: {  	_ =	shalt  }
0x41: {  	_ =	shalt  }
0x42: {  	_ =	shalt  }
0x43: {  	_ =	shalt  }
0x44: {  	_ =	shalt  }
0x45: {  	_ =	shalt  }
0x46: {  	_ =	shalt  }
0x47: {  	_ =	shalt  }
0x48: {  	_ =	shalt  }
0x49: {  	_ =	shalt  }
0x4a: {  	_ =	shalt  }
0x4b: {  	_ =	shalt  }
0x4c: {  	_ =	shalt  }
0x4d: {  	_ =	shalt  }
0x4e: {  	_ =	shalt  }
0x4f: {  	_ =	shalt  }
0x50: {  	_ =	shalt  }
0x51: {  	_ =	shalt  }
0x52: {  	_ =	shalt  }
0x53: {  	_ =	shalt  }
0x54: {  	_ =	shalt  }
0x55: {  	_ =	shalt  }
0x56: {  	_ =	shalt  }
0x57: {  	_ =	shalt  }
0x58: {  	_ =	shalt  }
0x59: {  	_ =	shalt  }
0x5a: {  	_ =	shalt  }
0x5b: {  	_ =	shalt  }
0x5c: {  	_ =	shalt  }
0x5d: {  	_ =	shalt  }
0x5e: {  	_ =	shalt  }
0x5f: {  	_ =	shalt  }
0x60: {  	_ =	shalt  }
0x61: {  	_ =	shalt  }
0x62: {  	_ =	shalt  }
0x63: {  	_ =	shalt  }
0x64: {  	_ =	shalt  }
0x65: {  	_ =	shalt  }
0x66: {  	_ =	shalt  }
0x67: {  	_ =	shalt  }
0x68: {  	_ =	shalt  }
0x69: {  	_ =	shalt  }
0x6a: {  	_ =	shalt  }
0x6b: {  	_ =	shalt  }
0x6c: {  	_ =	shalt  }
0x6d: {  	_ =	shalt  }
0x6e: {  	_ =	shalt  }
0x6f: {  	_ =	shalt  }
0x70: {  	_ =	shalt  }
0x71: {  	_ =	shalt  }
0x72: {  	_ =	shalt  }
0x73: {  	_ =	shalt  }
0x74: {  	_ =	shalt  }
0x75: {  	_ =	shalt  }
0x76: {  	_ =	shalt  }
0x77: {  	_ =	shalt  }
0x78: {  	_ =	shalt  }
0x79: {  	_ =	shalt  }
0x7a: {  	_ =	shalt  }
0x7b: {  	_ =	shalt  }
0x7c: {  	_ =	shalt  }
0x7d: {  	_ =	shalt  }
0x7e: {  	_ =	shalt  }
0x7f: {  	_ =	shalt  }
0x80: {  	_ =	shalt  }
0x81: {  	_ =	shalt  }
0x82: {  	_ =	shalt  }
0x83: {  	_ =	shalt  }
0x84: {  	_ =	shalt  }
0x85: {  	_ =	shalt  }
0x86: {  	_ =	shalt  }
0x87: {  	_ =	shalt  }
.Lfunc_end0:
.L_simem_size_0:
called_computation_lowered:
.L_overlay_start_0:
0x88: {  	s2 =	sld [smem:$0x3FD9]  }
0x89: {  	s3 =	sld [smem:$0x3FFE];
	_ =	sdelay $0x1  }
0x8a: {  	s1 =	srdreg.scid  }
0x8b: {  	s0 =	sand.u32 $0x1, s1  }
0x8c: {  	s14 =	sshll.u32 s0, $0xA;
	s2 =	sadd.s32 s3, s2  }
0x8d: {  	s2 =	sadd.s32 s2, s14  }
0x8e: {  	[smem:$0x3FA7] =	sst s2  }
0x8f: {  	_ = 	snop  }
0x90: {  	s2 =	sld [smem:$0x3FC9]  }
0x91: {  	s15 =	sld [smem:$0x3FD0]  }
0x92: {  	s4 =	sld [smem:$0x3FC8]  }
0x93: {  	s5 =	sld [smem:$0x3FC7]  }
0x94: {  	s7 =	simm.s32 $0xA;
	s8 =	simm.s32 $0x10;
	s6 =	sld [smem:$0x3FC4]  }
0x95: {  	[smem:s8], [sflag:s7] =	dma.local [hbm:s15], $0x1  }
0x96: {  	_ =	swait.eq [sflag:s7], $0x1  }
0x97: {  	[sflag:s7] =	ssyncset.done $0x0  }
0x98: {  	[sflag:s7] =	ssyncadd.s32 $0xFFFFFFFF  }
0x99: {  	s16 =	sld [smem:$0x11];
	(tm) =	ssettm $0x1  }
0x9a: {  	s17 =	sld [smem:$0x3FFB];
	_ =	sdelay $0x3  }
0x9b: {  	_ =	strace s17  }
0x9c: {  	s7 =	sld [smem:$0x3FFC];
	_ =	sdelay $0x3  }
0x9d: {  	_ =	strace s7  }
0x9e: {  	s7 =	sld [smem:$0x3FFD];
	_ =	sdelay $0x3  }
0x9f: {  	_ =	strace s7  }
0xa0: {  	_ =	strace $0x8FFFFFFF  }
0xa1: {  	s18 =	sld [smem:$0x3FDB];
	_ =	sdelay $0x1  }
0xa2: {  	s19 =	simm.s32 $_scs_section_size  }
0xa3: {  	s9 =	simm.s32 $_size__tile_overlayer_lowered;
	s10 =	simm.s32 $_tile_overlayer_lowered  }
0xa4: {  	s22 =	simm.s32 $0x1BFF;
	s21 =	sshll.u32 s10, $0x1;
	s7 =	sadd.s32 s19, s18  }
0xa5: {  	s11 =	simm.s32 $0x0;
	s20 =	sshll.u32 s9, $0x1;
	s9 =	sadd.s32 s21, s7  }
0xa6: {  	[timem:s11], [sflag:s22] =	dma.local [hbm:s9], s20  }
0xa7: {  	_ =	swait.ge [sflag:s22], s20  }
0xa8: {  	s8 =	ssub.s32 $0x0, s20;
	[sflag:s22] =	ssyncset.done $0x0  }
0xa9: {  	[sflag:s22] =	ssyncadd.s32 s8;
	_ =	sdelay $0x1  }
0xaa: {  	s23 =	simm.s32 $0x1B8B  }
0xab: {  	_ =	swait.ge [sflag:s23], $0x1  }
0xac: {  	[sflag:s23] =	ssyncset.done $0x0  }
0xad: {  	s25 =	simm.s32 $0x1B8E;
	s24 =	sld [smem:$0x3FFE];
	[sflag:s23] =	ssyncadd.s32 $0xFFFFFFFF  }
0xae: {  	s26 =	simm.s32 $execute0_lowered;
	[smem:$0x3FD2] =	sst s25  }
0xaf: {  	s9 =	sshll.u32 s26, $0x1;
	_ =	strace $0x80000046;
	[dreg:$0x1] =	wrdreg $0xFFFFFFFF  }
0xb0: {  	s28 =	simm.s32 $_size_execute0_lowered;
	s7 =	sadd.s32 s7, s9;
	[dreg:$0x0] =	wrdreg $0x0  }
0xb1: {  	s9 =	sshll.u32 s28, $0x1;
	[dreg:$0x2] =	wrdreg s7  }
0xb2: {  	[dreg:$0x3] =	wrdreg s9  }
0xb3: {  	[dreg:$0x4] =	wrdreg $0xC0  }
0xb4: {  	_ =	task [dreg:s11], $0x5FFFF  }
0xb5: {  	[dreg:$0x1] =	wrdreg $0xFFFFFFFF  }
0xb6: {  	[dreg:$0x0] =	wrdreg $0x60  }
0xb7: {  	[dreg:$0x2] =	wrdreg s4  }
0xb8: {  	[dreg:$0x3] =	wrdreg s16  }
0xb9: {  	[dreg:$0x4] =	wrdreg s2  }
0xba: {  	[dreg:$0x5] =	wrdreg s6  }
0xbb: {  	[dreg:$0x6] =	wrdreg s24  }
0xbc: {  	[dreg:$0x7] =	wrdreg s5  }
0xbd: {  	[dreg:$0x8] =	wrdreg $0x0  }
0xbe: {  	[dreg:$0x9] =	wrdreg $0x9  }
0xbf: {  	_ =	task.clear_ibuf [dreg:s11], $0xAFFFF;
	_ =	strace $0x90000046  }
0xc0: {  	s29 =	simm.s32 $0x9;
	_ =	strace $0x80000048  }
0xc1: {  	_ =	swait.ge [sflag:s29], $0x1  }
0xc2: {  	[sflag:s29] =	ssyncadd.s32 $0xFFFFFFFF  }
0xc3: {  	_ =	strace $0x90000048  }
0xc4: {  	_ =	sfence  }
0xc5: {  	s30 =	sld [smem:$0x0];
	_ =	sdelay $0x2  }
0xc6: {  	s31 =	sshll.u32 s1, $0xD;
	s1 =	sshrl.u32 s1, $0x2  }
0xc7: {  	s3 =	sand.u32 $0x4000, s31;
	s1 =	sadd.s32 s1, s30  }
0xc8: {  	s0 =	sor.u32 s3, s0;
	s1 =	sshll.u32 s1, $0x11  }
0xc9: {  	s0 =	sor.u32 s1, s0  }
0xca: {  	s0 =	sadd.s32 $0x8F2B, s0  }
0xcb: {  	[sflag:s0] =	ssyncadd.remote.s32 $0x1  }
0xcc: {  	_ =	sfence.sel $0xFFFF  }
0xcd: {  	[dreg:$0x0] =	wrdreg $0xFFFFFFFF;
	(pc) =	sbr.abs _section_cstart, $3  }
0xce: {  	[dreg:$0x1] =	wrdreg $0xFFFFFFFF  }
0xcf: {  	_ =	task.clear_ibuf [dreg:s11], $0x2FFFF;
	_ =	strace $0x9FFFFFFF  }
0xd0: {  	(tm) =	ssettm $0x7FFFFFFF  }
0xd1: {  	_ =	shalt  }
tec
execute0_lowered:
.L_overlay_start_1:
0x0: {  	(tag) =	ssettag $0x1  }
0x1: {  	s3 =	rddreg [dreg:$0x0]  }
0x2: {  	s8 =	rddreg [dreg:$0x1]  }
0x3: {  	s1 =	rddreg [dreg:$0x2]  }
0x4: {  	s7 =	rddreg [dreg:$0x4]  }
0x5: {  	s9 =	rddreg [dreg:$0x5];
	s0 =	stileid.u32  }
0x6: {  	s5 =	srdreg.scid;
	s6 =	smul.u32 $0x280, s0  }
0x7: {  	s4 =	rddreg [dreg:$0x6];
	s12 =	smul.u32 $0x2800, s0  }
0x8: {  	s28 =	simm.s32 $0x17E00;
	s29 =	simm.s32 $0x0;
	s18 =	smul.u32 $0x50000, s0  }
0x9: {  	s10 =	sand.u32 $0x1, s5;
	s5 =	simm.s32 $0x0;
	s30 =	smul.u32 $0x27100, s0  }
0xa: {  	s31 =	sshll.u32 s0, $0x6;
	s11 =	smul.u32 $0x2800, s10;
	[smem:$0x7FF] =	sst s5  }
0xb: {  	s13 =	sshll.u32 s10, $0x4;
	s23 =	ssub.s32 $0x2, s10;
	s19 =	sor.u32 s0, s10  }
0xc: {  	s26 =	smul.u32 $0x271000, s10;
	_ =	strace $0x80000047;
	s20 =	sadd.s32 s12, s7  }
0xd: {  	s22 =	sor.u32 s0, s13;
	s16 =	sshrl.u32 s23, $0x1;
	s25 =	sshrl.u32 s18, $0x2  }
0xe: {  	p0 =	sne.s32 s19, $0x0;
	s18 =	simm.s32 $0x3;
	s19 =	simm.s32 $0x18000  }
0xf: {  	s6 =	sadd.s32 s6, s11;
	s15 =	smul.u32 $0x2710, s22;
	s17 =	sshll.u32 s22, $0xB  }
0x10: {  	s16 =	ssub.s32 s23, s16;
	s12 =	smul.u32 $0x27100, s22;
	s10 =	sadd.s32 $0x4C00, s20  }
0x11: {  	s20 =	sor.u32 $0x1C03, s31;
	s22 =	simm.s32 $0x1A780;
	s23 =	simm.s32 $0x1CF80  }
0x12: {  	s21 =	sshll.u32 s6, $0x4;
	s6 =	sadd.s32 $0x2CC00, s7;
	s8 =	sadd.s32 s8, s17  }
0x13: {  	s17 =	simm.s32 $0x14000;
	s14 =	sadd.s32 s21, s7;
	s7 =	sadd.s32 $0x7D200, s7  }
0x14: {  	s24 =	sshrl.u32 s15, $0x3;
	s21 =	sadd.s32 s25, s4;
	s11 =	sadd.s32 s3, s12  }
0x15: {  	s3 =	sadd.s32 s26, s3;
	s15 =	smax.u32 s16, $0x1;
	s25 =	simm.s32 $0x50  }
0x16: {  	s26 =	simm.s32 $0x2;
	s9 =	sadd.s32 s9, s24;
	s12 =	sadd.s32 $0x7D400, s14  }
0x17: {  	s13 =	sadd.s32 $0xCD400, s14;
	s14 =	sadd.s32 $0x2D200, s14;
	s3 =	sadd.s32 s30, s3  }
0x18: {  	s21 =	sshrl.u32 s21, $0x3;
	s24 =	simm.s32 $0x1;
	s16 =	sadd.s32 $0xA00, s3  }
.LBB2_1:
0x19: {  	s3 =	simm.s32 @!p0 $0x0  }
0x1a: {  	s30 =	simm.s32 @!p0 $0x1F780;
	s0 =	rddreg [dreg:$0x3];
	s31 =	simm.s32 @!p0 $0x3  }
0x1b: {  	[tilespmem:s30], [sflag:$0x3] =	stream.linear.gather @!p0 [hbm4b:s0+s3], $0x80, $0x38;
	v63 =	vld [tilespmem:$0x0]  }
0x1c: {  	_ =	swait.ge @!p0 [sflag:s31], $0x80  }
0x1d: {  	[sflag:s31] =	ssyncset.done @!p0 $0x0  }
0x1e: {  	s2 =	simm.s32 @!p0 $0x1F800;
	s0 =	simm.s32 @!p0 $0x10;
	[sflag:s31] =	ssyncadd.s32 @!p0 $0xFFFFFF80  }
0x1f: {  	[tilespmem:s2], [sflag:$0x1] =	stream.indirect.gather @!p0 [hbm4b:s1+s0], $0x80, s30, s0, $0xb8;
	v63 =	vld [tilespmem:$0x0]  }
0x20: {  	s0 =	simm.s32 @!p0 $0x1  }
0x21: {  	_ =	swait.ge @!p0 [sflag:s0], $0x800  }
0x22: {  	[sflag:s0] =	ssyncset.done @!p0 $0x0  }
0x23: {  	[sflag:s0] =	ssyncadd.s32 @!p0 $0xFFFFF800  }
0x24: {  	[hbm4b:s7+s3] =	stream.linear.scatter @!p0 [tilespmem:s2], [sflag:$0x3], $0x800, $0x38;
	v63 =	vld [tilespmem:$0x0]  }
0x25: {  	_ =	swait.ge @!p0 [sflag:s31], $0x800  }
0x26: {  	[sflag:s31] =	ssyncset.done @!p0 $0x0  }
0x27: {  	[sflag:s31] =	ssyncadd.s32 @!p0 $0xFFFFF800  }
0x28: {  	[tilespmem:s17], [sflag:$0x3] =	stream.linear.gather [hbm4b:s8+s5], $0x3E80, $0x38;
	v63 =	vld [tilespmem:$0x0]  }
0x29: {  	_ =	swait.ge [sflag:s18], $0x3E80  }
0x2a: {  	[sflag:s18] =	ssyncset.done $0x0  }
0x2b: {  	[sflag:s18] =	ssyncadd.s32 $0xFFFFC180  }
0x2c: {  	[tilespmem:s19], [sflag:$0x3] =	stream.linear.gather [hbm4b:s9+s5], $0x2710, $0x38;
	v63 =	vld [tilespmem:$0x0]  }
0x2d: {  	_ =	swait.ge [sflag:s18], $0x2710  }
0x2e: {  	[sflag:s18] =	ssyncset.done $0x0  }
0x2f: {  	[sflag:s18] =	ssyncadd.s32 $0xFFFFD8F0  }
0x30: {  	[spmem:s21], [sflag:s20] =	dma.local [hbm:s10], $0x2800  }
0x31: {  	_ =	swait.ge [sflag:s18], $0x2800  }
0x32: {  	[sflag:s18] =	ssyncset.done $0x0  }
0x33: {  	[sflag:s18] =	ssyncadd.s32 $0xFFFFD800  }
0x34: {  	[bflag:$0x0] =	sbarrier.arrive $0xFFFF  }
0x35: {  	[tilespmem:s22], [sflag:$0x1] =	stream.linear.gather [hbm4b:s11+s5], $0x2800, $0x38;
	v63 =	vld [tilespmem:$0x0]  }
0x36: {  	s3 =	sadd.s32 $0xFFFFFB00, s16  }
0x37: {  	[tilespmem:s23], [sflag:$0x2] =	stream.linear.gather [hbm4b:s3+s5], $0x2800, $0x38;
	v63 =	vld [tilespmem:$0x0]  }
0x38: {  	_ =	swait.ge [sflag:s24], $0x2800  }
0x39: {  	[sflag:s24] =	ssyncset.done $0x0  }
0x3a: {  	s2 =	simm.s32 $0x14000;
	[sflag:s24] =	ssyncadd.s32 $0xFFFFD800  }
0x3b: {  	[spmem:s4] =	stream.indirect.scatter.add.f32 [tilespmem:s22], [sflag:$0x3], $0x80, s2, s25, $0xb8;
	v63 =	vld [tilespmem:$0x0]  }
0x3c: {  	_ =	swait.ge [sflag:s18], $0x2800  }
0x3d: {  	[sflag:s18] =	ssyncset.done $0x0  }
0x3e: {  	[sflag:s18] =	ssyncadd.s32 $0xFFFFD800  }
0x3f: {  	[tilespmem:s22], [sflag:$0x1] =	stream.linear.gather [hbm4b:s16+s5], $0x2800, $0x38;
	v63 =	vld [tilespmem:$0x0]  }
0x40: {  	_ =	swait.ge [sflag:s26], $0x2800  }
0x41: {  	[sflag:s26] =	ssyncset.done $0x0  }
0x42: {  	s3 =	simm.s32 $0x14080;
	[sflag:s26] =	ssyncadd.s32 $0xFFFFD800  }
0x43: {  	[spmem:s4] =	stream.indirect.scatter.add.f32 [tilespmem:s23], [sflag:$0x3], $0x80, s3, s25, $0xb8;
	v63 =	vld [tilespmem:$0x0]  }
0x44: {  	s30 =	sadd.s32 $0xA00, s16;
	_ =	swait.ge [sflag:s18], $0x2800  }
0x45: {  	s31 =	simm.s32 $0x400;
	s3 =	simm.s32 $0x800;
	[sflag:s18] =	ssyncset.done $0x0  }
.LBB2_2:
0x46: {  	p1 =	sne.s32 s3, $0xF400;
	s0 =	sadd.s32 $0xFFFFFB00, s30;
	[sflag:s18] =	ssyncadd.s32 $0xFFFFD800  }
0x47: {  	[tilespmem:s23], [sflag:$0x2] =	stream.linear.gather [hbm4b:s0+s5], $0x2800, $0x38;
	v63 =	vld [tilespmem:$0x0]  }
0x48: {  	s0 =	smov.u32 s3;
	s3 =	sadd.s32 $0x400, s3;
	_ =	swait.ge [sflag:s24], $0x2800  }
0x49: {  	s2 =	sshra.s32 s31, $0x2;
	s31 =	smov.u32 s0;
	[sflag:s24] =	ssyncset.done $0x0  }
0x4a: {  	s0 =	sadd.s32 $0x14000, s2;
	[sflag:s24] =	ssyncadd.s32 $0xFFFFD800  }
0x4b: {  	[spmem:s4] =	stream.indirect.scatter.add.f32 [tilespmem:s22], [sflag:$0x3], $0x80, s0, s25, $0xb8;
	v63 =	vld [tilespmem:$0x0]  }
0x4c: {  	_ =	swait.ge [sflag:s18], $0x2800  }
0x4d: {  	[sflag:s18] =	ssyncset.done $0x0  }
0x4e: {  	[sflag:s18] =	ssyncadd.s32 $0xFFFFD800  }
0x4f: {  	[tilespmem:s22], [sflag:$0x1] =	stream.linear.gather [hbm4b:s30+s5], $0x2800, $0x38;
	v63 =	vld [tilespmem:$0x0]  }
0x50: {  	_ =	swait.ge [sflag:s26], $0x2800  }
.Ltmp0:
0x51: {  	[sflag:s26] =	ssyncset.done $0x0;
	(pc) =	sbr.rel @p1 .LBB2_2-.Ltmp0, $4  }
0x52: {  	s0 =	sadd.s32 $0x14080, s2;
	[sflag:s26] =	ssyncadd.s32 $0xFFFFD800  }
0x53: {  	[spmem:s4] =	stream.indirect.scatter.add.f32 [tilespmem:s23], [sflag:$0x3], $0x80, s0, s25, $0xb8;
	v63 =	vld [tilespmem:$0x0]  }
0x54: {  	_ =	swait.ge [sflag:s18], $0x2800  }
0x55: {  	s30 =	sadd.s32 $0xA00, s30;
	[sflag:s18] =	ssyncset.done $0x0  }
0x56: {  	s0 =	sadd.s32 $0xFFFFFB00, s30;
	[sflag:s18] =	ssyncadd.s32 $0xFFFFD800  }
0x57: {  	[tilespmem:s23], [sflag:$0x2] =	stream.linear.gather [hbm4b:s0+s5], $0x2800, $0x38;
	v63 =	vld [tilespmem:$0x0]  }
0x58: {  	_ =	swait.ge [sflag:s24], $0x2800  }
0x59: {  	s3 =	sshra.s32 s31, $0x2;
	[sflag:s24] =	ssyncset.done $0x0  }
0x5a: {  	s2 =	sadd.s32 $0x14000, s3;
	[sflag:s24] =	ssyncadd.s32 $0xFFFFD800  }
0x5b: {  	[spmem:s4] =	stream.indirect.scatter.add.f32 [tilespmem:s22], [sflag:$0x3], $0x80, s2, s25, $0xb8;
	v63 =	vld [tilespmem:$0x0]  }
0x5c: {  	_ =	swait.ge [sflag:s18], $0x2800  }
0x5d: {  	[sflag:s18] =	ssyncset.done $0x0  }
0x5e: {  	[sflag:s18] =	ssyncadd.s32 $0xFFFFD800  }
0x5f: {  	[tilespmem:s22], [sflag:$0x1] =	stream.linear.gather [hbm4b:s30+s5], $0x2800, $0x38;
	v63 =	vld [tilespmem:$0x0]  }
0x60: {  	_ =	swait.ge [sflag:s26], $0x2800  }
0x61: {  	[sflag:s26] =	ssyncset.done $0x0  }
0x62: {  	s0 =	sadd.s32 $0x14080, s3;
	[sflag:s26] =	ssyncadd.s32 $0xFFFFD800  }
0x63: {  	[spmem:s4] =	stream.indirect.scatter.add.f32 [tilespmem:s23], [sflag:$0x3], $0x80, s0, s25, $0xb8;
	v63 =	vld [tilespmem:$0x0]  }
0x64: {  	_ =	swait.ge [sflag:s18], $0x2800  }
0x65: {  	[sflag:s18] =	ssyncset.done $0x0  }
0x66: {  	[sflag:s18] =	ssyncadd.s32 $0xFFFFD800  }
0x67: {  	_ =	swait.ge [sflag:s24], $0x2800  }
0x68: {  	[sflag:s24] =	ssyncset.done $0x0  }
0x69: {  	[sflag:s24] =	ssyncadd.s32 $0xFFFFD800  }
0x6a: {  	[spmem:s4] =	stream.indirect.scatter.add.f32 [tilespmem:s22], [sflag:$0x3], $0x80, s28, s25, $0xb8;
	v63 =	vld [tilespmem:$0x0]  }
0x6b: {  	_ =	swait.ge [sflag:s18], $0x2800  }
0x6c: {  	[sflag:s18] =	ssyncset.done $0x0  }
0x6d: {  	[sflag:s18] =	ssyncadd.s32 $0xFFFFD800  }
0x6e: {  	[bflag:$0x0] =	sbarrier.arrive $0xFFFF  }
0x6f: {  	[hbm:s12], [sflag:s20] =	dma.local [spmem:s21], $0x2800  }
0x70: {  	_ =	swait.ge [sflag:s18], $0x2800  }
0x71: {  	[sflag:s18] =	ssyncset.done $0x0  }
0x72: {  	[sflag:s18] =	ssyncadd.s32 $0xFFFFD800  }
0x73: {  	[bflag:$0x0] =	sbarrier.arrive $0xFFFF  }
0x74: {  	[spmem:s21], [sflag:s20] =	dma.local [hbm:s10], $0x2800  }
0x75: {  	_ =	swait.ge [sflag:s18], $0x2800  }
0x76: {  	[sflag:s18] =	ssyncset.done $0x0  }
0x77: {  	s30 =	simm.s32 $0x0;
	[sflag:s18] =	ssyncadd.s32 $0xFFFFD800  }
0x78: {  	[tilespmem:s22], [sflag:$0x3] =	stream.linear.gather [hbm4b:s6+s30], $0x2800, $0x38;
	v63 =	vld [tilespmem:$0x0]  }
0x79: {  	_ =	swait.ge [sflag:s18], $0x2800  }
0x7a: {  	[sflag:s18] =	ssyncset.done $0x0  }
0x7b: {  	[sflag:s18] =	ssyncadd.s32 $0xFFFFD800  }
0x7c: {  	s31 =	simm.s32 $0x14000;
	[bflag:$0x0] =	sbarrier.arrive $0xFFFF  }
0x7d: {  	[spmem:s4] =	stream.indirect.scatter.add.f32 [tilespmem:s22], [sflag:$0x3], $0x80, s31, s25, $0xb8;
	v63 =	vld [tilespmem:$0x0]  }
0x7e: {  	s3 =	simm.s32 $0x200;
	_ =	swait.ge [sflag:s18], $0x2800  }
.LBB2_4:
0x7f: {  	s0 =	sshra.s32 s3, $0x2;
	[sflag:s18] =	ssyncset.done $0x0;
	p1 =	sne.s32 s3, $0xF800  }
.Ltmp1:
0x80: {  	s0 =	sadd.s32 $0x14000, s0;
	[sflag:s18] =	ssyncadd.s32 $0xFFFFD800;
	(pc) =	sbr.rel @p1 .LBB2_4-.Ltmp1, $3  }
0x81: {  	[spmem:s4] =	stream.indirect.scatter.add.f32 [tilespmem:s22], [sflag:$0x3], $0x80, s0, s25, $0xb8;
	v63 =	vld [tilespmem:$0x0]  }
0x82: {  	s3 =	sadd.s32 $0x200, s3;
	_ =	sdelay $0x1  }
0x83: {  	_ =	swait.ge [sflag:s18], $0x2800  }
0x84: {  	[sflag:s18] =	ssyncset.done $0x0  }
0x85: {  	[sflag:s18] =	ssyncadd.s32 $0xFFFFD800  }
0x86: {  	[bflag:$0x0] =	sbarrier.arrive $0xFFFF  }
0x87: {  	[hbm:s13], [sflag:s20] =	dma.local [spmem:s21], $0x2800  }
0x88: {  	_ =	swait.ge [sflag:s18], $0x2800  }
0x89: {  	[sflag:s18] =	ssyncset.done $0x0  }
0x8a: {  	[sflag:s18] =	ssyncadd.s32 $0xFFFFD800  }
0x8b: {  	[bflag:$0x0] =	sbarrier.arrive $0xFFFF  }
0x8c: {  	[spmem:s21], [sflag:s20] =	dma.local [hbm:s10], $0x2800  }
0x8d: {  	_ =	swait.ge [sflag:s18], $0x2800  }
0x8e: {  	[sflag:s18] =	ssyncset.done $0x0  }
0x8f: {  	[sflag:s18] =	ssyncadd.s32 $0xFFFFD800  }
0x90: {  	[bflag:$0x0] =	sbarrier.arrive $0xFFFF  }
0x91: {  	[tilespmem:s22], [sflag:$0x1] =	stream.indirect.gather [hbm4b:s1+s25], $0x80, s19, s25, $0xb8;
	v63 =	vld [tilespmem:$0x0]  }
0x92: {  	s0 =	simm.s32 $0x18050  }
0x93: {  	[tilespmem:s23], [sflag:$0x2] =	stream.indirect.gather [hbm4b:s1+s25], $0x80, s0, s25, $0xb8;
	v63 =	vld [tilespmem:$0x0]  }
0x94: {  	_ =	swait.ge [sflag:s24], $0x2800  }
0x95: {  	[sflag:s24] =	ssyncset.done $0x0  }
0x96: {  	s3 =	simm.s32 $0x14000;
	[sflag:s24] =	ssyncadd.s32 $0xFFFFD800  }
0x97: {  	[spmem:s4] =	stream.indirect.scatter.add.f32 [tilespmem:s22], [sflag:$0x3], $0x80, s3, s25, $0xb8;
	v63 =	vld [tilespmem:$0x0]  }
0x98: {  	_ =	swait.ge [sflag:s18], $0x2800  }
0x99: {  	[sflag:s18] =	ssyncset.done $0x0  }
0x9a: {  	s2 =	simm.s32 $0x180A0;
	[sflag:s18] =	ssyncadd.s32 $0xFFFFD800  }
0x9b: {  	[tilespmem:s22], [sflag:$0x1] =	stream.indirect.gather [hbm4b:s1+s25], $0x80, s2, s25, $0xb8;
	v63 =	vld [tilespmem:$0x0]  }
0x9c: {  	_ =	swait.ge [sflag:s26], $0x2800  }
0x9d: {  	[sflag:s26] =	ssyncset.done $0x0  }
0x9e: {  	s3 =	simm.s32 $0x14080;
	[sflag:s26] =	ssyncadd.s32 $0xFFFFD800  }
0x9f: {  	[spmem:s4] =	stream.indirect.scatter.add.f32 [tilespmem:s23], [sflag:$0x3], $0x80, s3, s25, $0xb8;
	v63 =	vld [tilespmem:$0x0]  }
0xa0: {  	s31 =	simm.s32 $0x400;
	_ =	swait.ge [sflag:s18], $0x2800  }
0xa1: {  	s30 =	simm.s32 $0x18140;
	s3 =	simm.s32 $0x800;
	[sflag:s18] =	ssyncset.done $0x0  }
.LBB2_6:
0xa2: {  	p1 =	sne.s32 s3, $0xF400;
	s0 =	sadd.s32 $0xFFFFFFB0, s30;
	[sflag:s18] =	ssyncadd.s32 $0xFFFFD800  }
0xa3: {  	[tilespmem:s23], [sflag:$0x2] =	stream.indirect.gather [hbm4b:s1+s25], $0x80, s0, s25, $0xb8;
	v63 =	vld [tilespmem:$0x0]  }
0xa4: {  	s0 =	smov.u32 s3;
	s3 =	sadd.s32 $0x400, s3;
	_ =	swait.ge [sflag:s24], $0x2800  }
0xa5: {  	s2 =	sshra.s32 s31, $0x2;
	s31 =	smov.u32 s0;
	[sflag:s24] =	ssyncset.done $0x0  }
0xa6: {  	s0 =	sadd.s32 $0x14000, s2;
	[sflag:s24] =	ssyncadd.s32 $0xFFFFD800  }
0xa7: {  	[spmem:s4] =	stream.indirect.scatter.add.f32 [tilespmem:s22], [sflag:$0x3], $0x80, s0, s25, $0xb8;
	v63 =	vld [tilespmem:$0x0]  }
0xa8: {  	_ =	swait.ge [sflag:s18], $0x2800  }
0xa9: {  	[sflag:s18] =	ssyncset.done $0x0  }
0xaa: {  	[sflag:s18] =	ssyncadd.s32 $0xFFFFD800  }
0xab: {  	[tilespmem:s22], [sflag:$0x1] =	stream.indirect.gather [hbm4b:s1+s25], $0x80, s30, s25, $0xb8;
	v63 =	vld [tilespmem:$0x0]  }
0xac: {  	_ =	swait.ge [sflag:s26], $0x2800  }
.Ltmp2:
0xad: {  	[sflag:s26] =	ssyncset.done $0x0;
	(pc) =	sbr.rel @p1 .LBB2_6-.Ltmp2, $4  }
0xae: {  	s0 =	sadd.s32 $0x14080, s2;
	[sflag:s26] =	ssyncadd.s32 $0xFFFFD800  }
0xaf: {  	[spmem:s4] =	stream.indirect.scatter.add.f32 [tilespmem:s23], [sflag:$0x3], $0x80, s0, s25, $0xb8;
	v63 =	vld [tilespmem:$0x0]  }
0xb0: {  	_ =	swait.ge [sflag:s18], $0x2800  }
0xb1: {  	s30 =	sadd.s32 $0xA0, s30;
	[sflag:s18] =	ssyncset.done $0x0  }
0xb2: {  	s0 =	sadd.s32 $0xFFFFFFB0, s30;
	[sflag:s18] =	ssyncadd.s32 $0xFFFFD800  }
0xb3: {  	[tilespmem:s23], [sflag:$0x2] =	stream.indirect.gather [hbm4b:s1+s25], $0x80, s0, s25, $0xb8;
	v63 =	vld [tilespmem:$0x0]  }
0xb4: {  	_ =	swait.ge [sflag:s24], $0x2800  }
0xb5: {  	s31 =	sshra.s32 s31, $0x2;
	[sflag:s24] =	ssyncset.done $0x0  }
0xb6: {  	s2 =	sadd.s32 $0x14000, s31;
	[sflag:s24] =	ssyncadd.s32 $0xFFFFD800  }
0xb7: {  	[spmem:s4] =	stream.indirect.scatter.add.f32 [tilespmem:s22], [sflag:$0x3], $0x80, s2, s25, $0xb8;
	v63 =	vld [tilespmem:$0x0]  }
0xb8: {  	_ =	swait.ge [sflag:s18], $0x2800  }
0xb9: {  	[sflag:s18] =	ssyncset.done $0x0  }
0xba: {  	[sflag:s18] =	ssyncadd.s32 $0xFFFFD800  }
0xbb: {  	[tilespmem:s22], [sflag:$0x1] =	stream.indirect.gather [hbm4b:s1+s25], $0x80, s30, s25, $0xb8;
	v63 =	vld [tilespmem:$0x0]  }
0xbc: {  	_ =	swait.ge [sflag:s26], $0x2800  }
0xbd: {  	[sflag:s26] =	ssyncset.done $0x0  }
0xbe: {  	s0 =	sadd.s32 $0x14080, s31;
	[sflag:s26] =	ssyncadd.s32 $0xFFFFD800  }
0xbf: {  	[spmem:s4] =	stream.indirect.scatter.add.f32 [tilespmem:s23], [sflag:$0x3], $0x80, s0, s25, $0xb8;
	v63 =	vld [tilespmem:$0x0]  }
0xc0: {  	_ =	swait.ge [sflag:s18], $0x2800  }
0xc1: {  	[sflag:s18] =	ssyncset.done $0x0  }
0xc2: {  	[sflag:s18] =	ssyncadd.s32 $0xFFFFD800  }
0xc3: {  	_ =	swait.ge [sflag:s24], $0x2800  }
0xc4: {  	[sflag:s24] =	ssyncset.done $0x0  }
0xc5: {  	[sflag:s24] =	ssyncadd.s32 $0xFFFFD800  }
0xc6: {  	[spmem:s4] =	stream.indirect.scatter.add.f32 [tilespmem:s22], [sflag:$0x3], $0x80, s28, s25, $0xb8;
	v63 =	vld [tilespmem:$0x0]  }
0xc7: {  	_ =	swait.ge [sflag:s18], $0x2800  }
0xc8: {  	s29 =	sadd.s32 $0x1, s29;
	[sflag:s18] =	ssyncset.done $0x0  }
0xc9: {  	p1 =	sne.s32 s29, s15;
	[sflag:s18] =	ssyncadd.s32 $0xFFFFD800  }
.Ltmp3:
0xca: {  	[bflag:$0x0] =	sbarrier.arrive $0xFFFF;
	(pc) =	sbr.rel @p1 .LBB2_1-.Ltmp3, $4  }
0xcb: {  	[hbm:s14], [sflag:s20] =	dma.local [spmem:s21], $0x2800  }
0xcc: {  	_ =	swait.ge [sflag:s18], $0x2800  }
0xcd: {  	[sflag:s18] =	ssyncset.done $0x0  }
0xce: {  	[sflag:s18] =	ssyncadd.s32 $0xFFFFD800  }
0xcf: {  	_ =	sfence.sel $0x180000  }
0xd0: {  	[bflag:$0x0] =	sbarrier.arrive $0xFFFF  }
0xd1: {  	_ =	strace $0x90000047  }
0xd2: {  	s0 =	stileid.u32;
	[bflag:$0x2] =	sbarrier.arrive $0xFFFF  }
0xd3: {  	p0 =	sne.s32 s0, $0x0;
	s0 =	rddreg [dreg:$0x7]  }
0xd4: {  	s0 =	sadd.s32 @!p0 $0x100000, s0  }
0xd5: {  	[sflag:s0] =	ssyncadd.tile.s32 @!p0 $0x1;
	_ =	shalt  }
.Lfunc_end2:
_tile_overlayer_lowered:
.L_overlay_start_2:
0xd6: {  	(tag) =	ssettag $0x2  }
0xd7: {  	s0 =	rddreg [dreg:$0x0];
	s2 =	stileid.u32  }
0xd8: {  	s1 =	rddreg [dreg:$0x1];
	p0 =	sne.s32 s2, $0x0  }
0xd9: {  	s3 =	rddreg [dreg:$0x2];
	[bflag:$0x3] =	sbarrier.arrive $0xFFFF;
	s2 =	simm.s32 @!p0 $0x1C03  }
0xda: {  	[timem:s3], [sflag:s2] =	dma.local @!p0 [hbm:s0], s1  }
0xdb: {  	s0 =	simm.s32 @!p0 $0x3  }
0xdc: {  	_ =	swait.ge @!p0 [sflag:s0], s1  }
0xdd: {  	s1 =	ssub.s32 @!p0 $0x0, s1;
	[sflag:s0] =	ssyncset.done @!p0 $0x0  }
0xde: {  	[sflag:s0] =	ssyncadd.s32 @!p0 s1  }
0xdf: {  	[bflag:$0x3] =	sbarrier.arrive $0xFFFF  }
0xe0: {  	_ =	shalt  }

// kernel: kernel.9.cloned.1.call-start
scs
__scs_entry_jumppad:
0x0: {  	(pc) =	sbr.rel $0x88, $3  }
0x1: {  	(tag) =	ssettag $0x0;
	lr =	simm.s32 $0x1  }
0x2: {  	[smem:$0x3F80] =	sst lr;
	_ =	strace $0xD0000000  }
0x3: {  	_ = 	snop  }
0x4: {  	_ = 	snop  }
0x5: {  	_ = 	snop  }
0x6: {  	_ = 	snop  }
0x7: {  	_ = 	snop  }
__scs_overlays_trampoline_lowered:
0x8: {  	[smem:$0x3F8F] =	sst s0  }
0x9: {  	[smem:$0x3F90] =	sst s1  }
0xa: {  	[smem:$0x3F91] =	sst s2  }
0xb: {  	[smem:$0x3F92] =	sst s3  }
0xc: {  	[smem:$0x3F93] =	sst s4  }
0xd: {  	[smem:$0x3F94] =	sst s5  }
0xe: {  	[smem:$0x3F95] =	sst s6  }
0xf: {  	[smem:$0x3F96] =	sst s7  }
0x10: {  	[smem:$0x3F97] =	sst s8  }
0x11: {  	[smem:$0x3F98] =	sst s9;
	s0 =	simm.s32 @!p0 $0x0  }
0x12: {  	s1 =	sld [smem:$0x3F7E];
	s0 =	simm.s32 @p0 $0x1  }
0x13: {  	[smem:$0x3F99] =	sst s0;
	s0 =	simm.s32 @!p1 $0x0  }
0x14: {  	s2 =	sld [smem:$0x3F7D];
	s0 =	simm.s32 @p1 $0x1  }
0x15: {  	[smem:$0x3F9A] =	sst s0;
	s0 =	simm.s32 @!p2 $0x0  }
0x16: {  	s3 =	sld [smem:$0x3FDB];
	s0 =	simm.s32 @p2 $0x1  }
0x17: {  	s4 =	simm.s32 $0x1BF5;
	[smem:$0x3F9C] =	sst s0  }
0x18: {  	s0 =	sld [smem:$0x3F7F];
	_ =	swait.ge [sflag:s4], $0x0  }
0x19: {  	s7 =	sld [smem:$0x3F80]  }
0x1a: {  	s8 =	sadd.s32 $0xFFFFE003, lr  }
0x1b: {  	s9 =	sadd.s32 $0xFFFFFEF7, lr;
	s5 =	simm.s32 $0xFFFFFFFF;
	p2 =	slt.u32 s8, $0xFFFFF086  }
0x1c: {  	p1 =	slt.u32 s9, $0xF7A;
	s5 =	simm.s32 @!p2 $0x0  }
0x1d: {  	s5 =	simm.s32 @p1 $0x1;
	p0 =	seq.s32 s7, s2  }
0x1e: {  	s7 =	smul.u32 @!p0 $0xF7A, s2;
	p2 =	seq.s32 @!p0 s5, $0x0  }
0x1f: {  	s9 =	smul.u32 $0xF7A, s1;
	s8 =	simm.s32 @!p0 $0x1BF5;
	p2 =	por !p2, p0  }
0x20: {  	[sflag:s8] =	ssyncset.s32 @!p0 $0xFFFFF086;
	s6 =	sadd.s32 @!p0 s3, s7;
	s7 =	simm.s32 @!p0 $0x108  }
0x21: {  	s3 =	sadd.s32 s3, s9;
	s6 =	sadd.s32 @!p0 $0x88, s6;
	s7 =	simm.s32 @p2 $0x1082  }
0x22: {  	[simem:s7], [sflag:s8] =	dma.local @!p0 [hbm:s6], $0xF7A  }
0x23: {  	s9 =	sor.u32 $0xD0000000, s2;
	s6 =	simm.s32 $0x108;
	_ =	swait.ge @!p0 [sflag:s8], $0x0  }
0x24: {  	s3 =	sadd.s32 $0x88, s3;
	s6 =	simm.s32 @!p1 $0x1082;
	[sflag:s4] =	ssyncset.s32 $0xFFFFF086  }
0x25: {  	[simem:s6], [sflag:s4] =	dma.local [hbm:s3], $0xF7A  }
0x26: {  	[smem:$0x3F80] =	sst s1;
	(tag) =	ssettag s2;
	_ =	strace s9  }
0x27: {  	s1 =	sld [smem:$0x3F90]  }
0x28: {  	s2 =	sld [smem:$0x3F91]  }
0x29: {  	s4 =	sld [smem:$0x3F93]  }
0x2a: {  	p0 =	seq.s32 s5, $0x0;
	s5 =	sld [smem:$0x3F94]  }
0x2b: {  	s6 =	sld [smem:$0x3F95]  }
0x2c: {  	s7 =	sld [smem:$0x3F96]  }
0x2d: {  	s3 =	simm.s32 $0x108;
	s8 =	sld [smem:$0x3F97]  }
0x2e: {  	s3 =	simm.s32 @!p0 $0x1082;
	s9 =	sld [smem:$0x3F98]  }
0x2f: {  	lr =	sadd.s32 s0, s3;
	s0 =	sld [smem:$0x3F8F]  }
0x30: {  	s3 =	sld [smem:$0x3F92]  }
0x31: {  	[smem:$0x3F9B] =	sst s10  }
0x32: {  	s10 =	sld [smem:$0x3F99];
	_ =	sdelay $0x3  }
0x33: {  	p0 =	seq.s32 s10, $0x1;
	s10 =	sld [smem:$0x3F9B];
	_ =	sdelay $0x3  }
0x34: {  	[smem:$0x3F9B] =	sst s10  }
0x35: {  	s10 =	sld [smem:$0x3F9A];
	_ =	sdelay $0x3  }
0x36: {  	p1 =	seq.s32 s10, $0x1;
	s10 =	sld [smem:$0x3F9B];
	_ =	sdelay $0x3  }
0x37: {  	[smem:$0x3F9B] =	sst s10  }
0x38: {  	s10 =	sld [smem:$0x3F9C]  }
0x39: {  	_ = 	snop;
	(pc) =	sbr.ind lr, $3  }
0x3a: {  	_ = 	snop  }
0x3b: {  	_ = 	snop  }
0x3c: {  	p2 =	seq.s32 s10, $0x1;
	s10 =	sld [smem:$0x3F9B]  }
0x3d: {  	_ =	shalt  }
0x3e: {  	_ =	shalt  }
0x3f: {  	_ =	shalt  }
0x40: {  	_ =	shalt  }
0x41: {  	_ =	shalt  }
0x42: {  	_ =	shalt  }
0x43: {  	_ =	shalt  }
0x44: {  	_ =	shalt  }
0x45: {  	_ =	shalt  }
0x46: {  	_ =	shalt  }
0x47: {  	_ =	shalt  }
0x48: {  	_ =	shalt  }
0x49: {  	_ =	shalt  }
0x4a: {  	_ =	shalt  }
0x4b: {  	_ =	shalt  }
0x4c: {  	_ =	shalt  }
0x4d: {  	_ =	shalt  }
0x4e: {  	_ =	shalt  }
0x4f: {  	_ =	shalt  }
0x50: {  	_ =	shalt  }
0x51: {  	_ =	shalt  }
0x52: {  	_ =	shalt  }
0x53: {  	_ =	shalt  }
0x54: {  	_ =	shalt  }
0x55: {  	_ =	shalt  }
0x56: {  	_ =	shalt  }
0x57: {  	_ =	shalt  }
0x58: {  	_ =	shalt  }
0x59: {  	_ =	shalt  }
0x5a: {  	_ =	shalt  }
0x5b: {  	_ =	shalt  }
0x5c: {  	_ =	shalt  }
0x5d: {  	_ =	shalt  }
0x5e: {  	_ =	shalt  }
0x5f: {  	_ =	shalt  }
0x60: {  	_ =	shalt  }
0x61: {  	_ =	shalt  }
0x62: {  	_ =	shalt  }
0x63: {  	_ =	shalt  }
0x64: {  	_ =	shalt  }
0x65: {  	_ =	shalt  }
0x66: {  	_ =	shalt  }
0x67: {  	_ =	shalt  }
0x68: {  	_ =	shalt  }
0x69: {  	_ =	shalt  }
0x6a: {  	_ =	shalt  }
0x6b: {  	_ =	shalt  }
0x6c: {  	_ =	shalt  }
0x6d: {  	_ =	shalt  }
0x6e: {  	_ =	shalt  }
0x6f: {  	_ =	shalt  }
0x70: {  	_ =	shalt  }
0x71: {  	_ =	shalt  }
0x72: {  	_ =	shalt  }
0x73: {  	_ =	shalt  }
0x74: {  	_ =	shalt  }
0x75: {  	_ =	shalt  }
0x76: {  	_ =	shalt  }
0x77: {  	_ =	shalt  }
0x78: {  	_ =	shalt  }
0x79: {  	_ =	shalt  }
0x7a: {  	_ =	shalt  }
0x7b: {  	_ =	shalt  }
0x7c: {  	_ =	shalt  }
0x7d: {  	_ =	shalt  }
0x7e: {  	_ =	shalt  }
0x7f: {  	_ =	shalt  }
0x80: {  	_ =	shalt  }
0x81: {  	_ =	shalt  }
0x82: {  	_ =	shalt  }
0x83: {  	_ =	shalt  }
0x84: {  	_ =	shalt  }
0x85: {  	_ =	shalt  }
0x86: {  	_ =	shalt  }
0x87: {  	_ =	shalt  }
.Lfunc_end0:
.L_simem_size_0:
called_computation.1_lowered:
.L_overlay_start_0:
0x88: {  	s2 =	sld [smem:$0x3FD9]  }
0x89: {  	s3 =	sld [smem:$0x3FFE];
	_ =	sdelay $0x1  }
0x8a: {  	s1 =	srdreg.scid  }
0x8b: {  	s0 =	sand.u32 $0x1, s1  }
0x8c: {  	s14 =	sshll.u32 s0, $0xA;
	s2 =	sadd.s32 s3, s2  }
0x8d: {  	s2 =	sadd.s32 s2, s14  }
0x8e: {  	[smem:$0x3FA7] =	sst s2  }
0x8f: {  	_ = 	snop  }
0x90: {  	s2 =	sld [smem:$0x3FD0];
	_ =	sdelay $0x2  }
0x91: {  	s4 =	simm.s32 $0xA;
	s5 =	simm.s32 $0x10;
	s15 =	sld [smem:$0x3FC7]  }
0x92: {  	[smem:s5], [sflag:s4] =	dma.local [hbm:s2], $0x1  }
0x93: {  	_ =	swait.eq [sflag:s4], $0x1  }
0x94: {  	[sflag:s4] =	ssyncset.done $0x0  }
0x95: {  	[sflag:s4] =	ssyncadd.s32 $0xFFFFFFFF  }
0x96: {  	s16 =	sld [smem:$0x11];
	(tm) =	ssettm $0x1  }
0x97: {  	s17 =	sld [smem:$0x3FFB];
	_ =	sdelay $0x3  }
0x98: {  	_ =	strace s17  }
0x99: {  	s4 =	sld [smem:$0x3FFC];
	_ =	sdelay $0x3  }
0x9a: {  	_ =	strace s4  }
0x9b: {  	s4 =	sld [smem:$0x3FFD];
	_ =	sdelay $0x3  }
0x9c: {  	_ =	strace s4  }
0x9d: {  	_ =	strace $0x8FFFFFFF  }
0x9e: {  	s18 =	sld [smem:$0x3FDB];
	_ =	sdelay $0x1  }
0x9f: {  	s19 =	simm.s32 $_scs_section_size  }
0xa0: {  	s6 =	simm.s32 $_size__tile_overlayer_lowered;
	s7 =	simm.s32 $_tile_overlayer_lowered  }
0xa1: {  	s22 =	simm.s32 $0x1BFF;
	s21 =	sshll.u32 s7, $0x1;
	s4 =	sadd.s32 s19, s18  }
0xa2: {  	s8 =	simm.s32 $0x0;
	s20 =	sshll.u32 s6, $0x1;
	s6 =	sadd.s32 s21, s4  }
0xa3: {  	[timem:s8], [sflag:s22] =	dma.local [hbm:s6], s20  }
0xa4: {  	_ =	swait.ge [sflag:s22], s20  }
0xa5: {  	s5 =	ssub.s32 $0x0, s20;
	[sflag:s22] =	ssyncset.done $0x0  }
0xa6: {  	[sflag:s22] =	ssyncadd.s32 s5;
	_ =	sdelay $0x1  }
0xa7: {  	s23 =	simm.s32 $0x1B8B  }
0xa8: {  	_ =	swait.ge [sflag:s23], $0x1  }
0xa9: {  	[sflag:s23] =	ssyncset.done $0x0  }
0xaa: {  	s25 =	simm.s32 $0x1B8E;
	s24 =	sld [smem:$0x3FFE];
	[sflag:s23] =	ssyncadd.s32 $0xFFFFFFFF  }
0xab: {  	s26 =	simm.s32 $execute0_lowered;
	[smem:$0x3FD2] =	sst s25  }
0xac: {  	s6 =	sshll.u32 s26, $0x1;
	_ =	strace $0x80000049;
	[dreg:$0x1] =	wrdreg $0xFFFFFFFF  }
0xad: {  	s28 =	simm.s32 $_size_execute0_lowered;
	s4 =	sadd.s32 s4, s6;
	[dreg:$0x0] =	wrdreg $0x0  }
0xae: {  	s6 =	sshll.u32 s28, $0x1;
	[dreg:$0x2] =	wrdreg s4  }
0xaf: {  	[dreg:$0x3] =	wrdreg s6  }
0xb0: {  	[dreg:$0x4] =	wrdreg $0xC0  }
0xb1: {  	_ =	task [dreg:s8], $0x5FFFF  }
0xb2: {  	[dreg:$0x1] =	wrdreg $0xFFFFFFFF  }
0xb3: {  	[dreg:$0x0] =	wrdreg $0x60  }
0xb4: {  	[dreg:$0x2] =	wrdreg s24  }
0xb5: {  	[dreg:$0x3] =	wrdreg s15  }
0xb6: {  	[dreg:$0x4] =	wrdreg s16  }
0xb7: {  	[dreg:$0x5] =	wrdreg $0x0  }
0xb8: {  	[dreg:$0x6] =	wrdreg $0x9  }
0xb9: {  	_ =	task.clear_ibuf [dreg:s8], $0x7FFFF;
	_ =	strace $0x90000049  }
0xba: {  	s29 =	simm.s32 $0x9;
	_ =	strace $0x8000004B  }
0xbb: {  	_ =	swait.ge [sflag:s29], $0x1  }
0xbc: {  	[sflag:s29] =	ssyncadd.s32 $0xFFFFFFFF  }
0xbd: {  	_ =	strace $0x9000004B  }
0xbe: {  	_ =	sfence  }
0xbf: {  	s30 =	sld [smem:$0x0];
	_ =	sdelay $0x2  }
0xc0: {  	s31 =	sshll.u32 s1, $0xD;
	s1 =	sshrl.u32 s1, $0x2  }
0xc1: {  	s3 =	sand.u32 $0x4000, s31;
	s1 =	sadd.s32 s1, s30  }
0xc2: {  	s0 =	sor.u32 s3, s0;
	s1 =	sshll.u32 s1, $0x11  }
0xc3: {  	s0 =	sor.u32 s1, s0  }
0xc4: {  	s0 =	sadd.s32 $0x8F2B, s0  }
0xc5: {  	[sflag:s0] =	ssyncadd.remote.s32 $0x1  }
0xc6: {  	_ =	sfence.sel $0xFFFF  }
0xc7: {  	[dreg:$0x0] =	wrdreg $0xFFFFFFFF;
	(pc) =	sbr.abs _section_cstart, $3  }
0xc8: {  	[dreg:$0x1] =	wrdreg $0xFFFFFFFF  }
0xc9: {  	_ =	task.clear_ibuf [dreg:s8], $0x2FFFF;
	_ =	strace $0x9FFFFFFF  }
0xca: {  	(tm) =	ssettm $0x7FFFFFFF  }
0xcb: {  	_ =	shalt  }
tec
execute0_lowered:
.L_overlay_start_1:
0x0: {  	(tag) =	ssettag $0x1  }
0x1: {  	s5 =	rddreg [dreg:$0x0]  }
0x2: {  	s6 =	rddreg [dreg:$0x1]  }
0x3: {  	s7 =	rddreg [dreg:$0x2]  }
0x4: {  	s2 =	rddreg [dreg:$0x3]  }
0x5: {  	s0 =	rddreg [dreg:$0x4];
	s4 =	srdreg.scid  }
0x6: {  	s3 =	simm.s32 $0x0;
	s1 =	stileid.u32;
	s15 =	simm.s32 $0x50  }
0x7: {  	s16 =	simm.s32 $0x1A780;
	s17 =	simm.s32 $0x1CF80;
	s18 =	simm.s32 $0x1  }
0x8: {  	s19 =	simm.s32 $0x2;
	s20 =	simm.s32 $0x1A580;
	s21 =	simm.s32 $0x0  }
0x9: {  	s8 =	sand.u32 $0x1, s4;
	[smem:$0x7FF] =	sst s3;
	s9 =	smul.u32 $0x2800, s1  }
0xa: {  	s14 =	smul.u32 $0x50000, s1;
	s31 =	sshll.u32 s1, $0x6;
	s4 =	sshll.u32 s8, $0x4  }
0xb: {  	_ =	strace $0x8000004A;
	s10 =	smul.u32 $0x28000, s8;
	s8 =	ssub.s32 $0x2, s8  }
0xc: {  	s11 =	sor.u32 s1, s4;
	s4 =	sadd.s32 $0x2CC00, s5;
	s13 =	sshrl.u32 s8, $0x1  }
0xd: {  	s30 =	sshrl.u32 s14, $0x2;
	s12 =	smul.u32 $0x4E2, s11;
	s10 =	sadd.s32 s9, s10  }
0xe: {  	s9 =	sadd.s32 s9, s5;
	s13 =	ssub.s32 s8, s13;
	s29 =	sshll.u32 s11, $0xB  }
0xf: {  	s14 =	sadd.s32 s30, s2;
	s11 =	simm.s32 $0x3;
	s10 =	sadd.s32 s10, s5  }
0x10: {  	s14 =	sshrl.u32 s14, $0x3;
	s5 =	sadd.s32 s6, s12;
	s6 =	sadd.s32 s7, s29  }
0x11: {  	s7 =	sadd.s32 $0x4C00, s9;
	s8 =	sadd.s32 $0x11D400, s10;
	s9 =	smax.u32 s13, $0x1  }
0x12: {  	s10 =	simm.s32 $0x14000;
	s12 =	simm.s32 $0x16780;
	s13 =	sor.u32 $0x1C03, s31  }
.LBB2_1:
0x13: {  	[tilespmem:s10], [sflag:$0x3] =	stream.linear.gather [hbm4b:s5+s3], $0x2710, $0x38;
	[tilespmem:$0x1F780] =	vst v63  }
0x14: {  	_ =	swait.ge [sflag:s11], $0x2710  }
0x15: {  	[sflag:s11] =	ssyncset.done $0x0  }
0x16: {  	[sflag:s11] =	ssyncadd.s32 $0xFFFFD8F0  }
0x17: {  	[tilespmem:s12], [sflag:$0x3] =	stream.linear.gather [hbm4b:s6+s3], $0x3E80, $0x38;
	[tilespmem:$0x1F780] =	vst v63  }
0x18: {  	_ =	swait.ge [sflag:s11], $0x3E80  }
0x19: {  	[sflag:s11] =	ssyncset.done $0x0  }
0x1a: {  	[sflag:s11] =	ssyncadd.s32 $0xFFFFC180  }
0x1b: {  	[spmem:s14], [sflag:s13] =	dma.local [hbm:s7], $0x2800  }
0x1c: {  	_ =	swait.ge [sflag:s11], $0x2800  }
0x1d: {  	[sflag:s11] =	ssyncset.done $0x0  }
0x1e: {  	[sflag:s11] =	ssyncadd.s32 $0xFFFFD800  }
0x1f: {  	[bflag:$0x0] =	sbarrier.arrive $0xFFFF  }
0x20: {  	[tilespmem:s16], [sflag:$0x1] =	stream.indirect.gather [hbm4b:s4+s15], $0x80, s10, s15, $0xb8;
	[tilespmem:$0x1F780] =	vst v63  }
0x21: {  	s22 =	simm.s32 $0x14050  }
0x22: {  	[tilespmem:s17], [sflag:$0x2] =	stream.indirect.gather [hbm4b:s4+s15], $0x80, s22, s15, $0xb8;
	[tilespmem:$0x1F780] =	vst v63  }
0x23: {  	_ =	swait.ge [sflag:s18], $0x2800  }
0x24: {  	[sflag:s18] =	ssyncset.done $0x0  }
0x25: {  	s29 =	simm.s32 $0x16780;
	[sflag:s18] =	ssyncadd.s32 $0xFFFFD800  }
0x26: {  	[spmem:s2] =	stream.indirect.scatter.add.f32 [tilespmem:s16], [sflag:$0x3], $0x80, s29, s15, $0xb8;
	[tilespmem:$0x1F780] =	vst v63  }
0x27: {  	_ =	swait.ge [sflag:s11], $0x2800  }
0x28: {  	[sflag:s11] =	ssyncset.done $0x0  }
0x29: {  	s30 =	simm.s32 $0x140A0;
	[sflag:s11] =	ssyncadd.s32 $0xFFFFD800  }
0x2a: {  	[tilespmem:s16], [sflag:$0x1] =	stream.indirect.gather [hbm4b:s4+s15], $0x80, s30, s15, $0xb8;
	[tilespmem:$0x1F780] =	vst v63  }
0x2b: {  	_ =	swait.ge [sflag:s19], $0x2800  }
0x2c: {  	[sflag:s19] =	ssyncset.done $0x0  }
0x2d: {  	s31 =	simm.s32 $0x16800;
	[sflag:s19] =	ssyncadd.s32 $0xFFFFD800  }
0x2e: {  	[spmem:s2] =	stream.indirect.scatter.add.f32 [tilespmem:s17], [sflag:$0x3], $0x80, s31, s15, $0xb8;
	[tilespmem:$0x1F780] =	vst v63  }
0x2f: {  	s23 =	simm.s32 $0x400;
	_ =	swait.ge [sflag:s11], $0x2800  }
0x30: {  	s24 =	simm.s32 $0x800;
	s22 =	simm.s32 $0x14140;
	[sflag:s11] =	ssyncset.done $0x0  }
.LBB2_2:
0x31: {  	p0 =	sne.s32 s24, $0xF400;
	s25 =	sadd.s32 $0xFFFFFFB0, s22;
	[sflag:s11] =	ssyncadd.s32 $0xFFFFD800  }
0x32: {  	[tilespmem:s17], [sflag:$0x2] =	stream.indirect.gather [hbm4b:s4+s15], $0x80, s25, s15, $0xb8;
	[tilespmem:$0x1F780] =	vst v63  }
0x33: {  	s25 =	smov.u32 s24;
	s24 =	sadd.s32 $0x400, s24;
	_ =	swait.ge [sflag:s18], $0x2800  }
0x34: {  	s26 =	sshra.s32 s23, $0x2;
	s23 =	smov.u32 s25;
	[sflag:s18] =	ssyncset.done $0x0  }
0x35: {  	s25 =	sadd.s32 $0x16780, s26;
	[sflag:s18] =	ssyncadd.s32 $0xFFFFD800  }
0x36: {  	[spmem:s2] =	stream.indirect.scatter.add.f32 [tilespmem:s16], [sflag:$0x3], $0x80, s25, s15, $0xb8;
	[tilespmem:$0x1F780] =	vst v63  }
0x37: {  	_ =	swait.ge [sflag:s11], $0x2800  }
0x38: {  	[sflag:s11] =	ssyncset.done $0x0  }
0x39: {  	[sflag:s11] =	ssyncadd.s32 $0xFFFFD800  }
0x3a: {  	[tilespmem:s16], [sflag:$0x1] =	stream.indirect.gather [hbm4b:s4+s15], $0x80, s22, s15, $0xb8;
	[tilespmem:$0x1F780] =	vst v63  }
0x3b: {  	_ =	swait.ge [sflag:s19], $0x2800  }
.Ltmp0:
0x3c: {  	[sflag:s19] =	ssyncset.done $0x0;
	(pc) =	sbr.rel @p0 .LBB2_2-.Ltmp0, $4  }
0x3d: {  	s25 =	sadd.s32 $0x16800, s26;
	[sflag:s19] =	ssyncadd.s32 $0xFFFFD800  }
0x3e: {  	[spmem:s2] =	stream.indirect.scatter.add.f32 [tilespmem:s17], [sflag:$0x3], $0x80, s25, s15, $0xb8;
	[tilespmem:$0x1F780] =	vst v63  }
0x3f: {  	_ =	swait.ge [sflag:s11], $0x2800  }
0x40: {  	s22 =	sadd.s32 $0xA0, s22;
	[sflag:s11] =	ssyncset.done $0x0  }
0x41: {  	s24 =	sadd.s32 $0xFFFFFFB0, s22;
	[sflag:s11] =	ssyncadd.s32 $0xFFFFD800  }
0x42: {  	[tilespmem:s17], [sflag:$0x2] =	stream.indirect.gather [hbm4b:s4+s15], $0x80, s24, s15, $0xb8;
	[tilespmem:$0x1F780] =	vst v63  }
0x43: {  	_ =	swait.ge [sflag:s18], $0x2800  }
0x44: {  	s23 =	sshra.s32 s23, $0x2;
	[sflag:s18] =	ssyncset.done $0x0  }
0x45: {  	s30 =	sadd.s32 $0x16780, s23;
	[sflag:s18] =	ssyncadd.s32 $0xFFFFD800  }
0x46: {  	[spmem:s2] =	stream.indirect.scatter.add.f32 [tilespmem:s16], [sflag:$0x3], $0x80, s30, s15, $0xb8;
	[tilespmem:$0x1F780] =	vst v63  }
0x47: {  	_ =	swait.ge [sflag:s11], $0x2800  }
0x48: {  	[sflag:s11] =	ssyncset.done $0x0  }
0x49: {  	[sflag:s11] =	ssyncadd.s32 $0xFFFFD800  }
0x4a: {  	[tilespmem:s16], [sflag:$0x1] =	stream.indirect.gather [hbm4b:s4+s15], $0x80, s22, s15, $0xb8;
	[tilespmem:$0x1F780] =	vst v63  }
0x4b: {  	_ =	swait.ge [sflag:s19], $0x2800  }
0x4c: {  	[sflag:s19] =	ssyncset.done $0x0  }
0x4d: {  	s31 =	sadd.s32 $0x16800, s23;
	[sflag:s19] =	ssyncadd.s32 $0xFFFFD800  }
0x4e: {  	[spmem:s2] =	stream.indirect.scatter.add.f32 [tilespmem:s17], [sflag:$0x3], $0x80, s31, s15, $0xb8;
	[tilespmem:$0x1F780] =	vst v63  }
0x4f: {  	_ =	swait.ge [sflag:s11], $0x2800  }
0x50: {  	[sflag:s11] =	ssyncset.done $0x0  }
0x51: {  	[sflag:s11] =	ssyncadd.s32 $0xFFFFD800  }
0x52: {  	_ =	swait.ge [sflag:s18], $0x2800  }
0x53: {  	[sflag:s18] =	ssyncset.done $0x0  }
0x54: {  	[sflag:s18] =	ssyncadd.s32 $0xFFFFD800  }
0x55: {  	[spmem:s2] =	stream.indirect.scatter.add.f32 [tilespmem:s16], [sflag:$0x3], $0x80, s20, s15, $0xb8;
	[tilespmem:$0x1F780] =	vst v63  }
0x56: {  	_ =	swait.ge [sflag:s11], $0x2800  }
0x57: {  	s21 =	sadd.s32 $0x1, s21;
	[sflag:s11] =	ssyncset.done $0x0  }
0x58: {  	p0 =	sne.s32 s21, s9;
	[sflag:s11] =	ssyncadd.s32 $0xFFFFD800  }
.Ltmp1:
0x59: {  	[bflag:$0x0] =	sbarrier.arrive $0xFFFF;
	(pc) =	sbr.rel @p0 .LBB2_1-.Ltmp1, $4  }
0x5a: {  	[hbm:s8], [sflag:s13] =	dma.local [spmem:s14], $0x2800  }
0x5b: {  	_ =	swait.ge [sflag:s11], $0x2800  }
0x5c: {  	[sflag:s11] =	ssyncset.done $0x0  }
0x5d: {  	[sflag:s11] =	ssyncadd.s32 $0xFFFFD800  }
0x5e: {  	_ =	sfence.sel $0x180000  }
0x5f: {  	[bflag:$0x0] =	sbarrier.arrive $0xFFFF  }
0x60: {  	p0 =	sne.s32 s1, $0x0;
	_ =	strace $0x9000004A  }
0x61: {  	s0 =	sadd.s32 @!p0 $0x100000, s0;
	[bflag:$0x2] =	sbarrier.arrive $0xFFFF  }
0x62: {  	[sflag:s0] =	ssyncadd.tile.s32 @!p0 $0x1;
	_ =	shalt  }
.Lfunc_end2:
_tile_overlayer_lowered:
.L_overlay_start_2:
0x63: {  	(tag) =	ssettag $0x2  }
0x64: {  	s0 =	rddreg [dreg:$0x0];
	s2 =	stileid.u32  }
0x65: {  	s1 =	rddreg [dreg:$0x1];
	p0 =	sne.s32 s2, $0x0  }
0x66: {  	s3 =	rddreg [dreg:$0x2];
	[bflag:$0x3] =	sbarrier.arrive $0xFFFF;
	s2 =	simm.s32 @!p0 $0x1C03  }
0x67: {  	[timem:s3], [sflag:s2] =	dma.local @!p0 [hbm:s0], s1  }
0x68: {  	s0 =	simm.s32 @!p0 $0x3  }
0x69: {  	_ =	swait.ge @!p0 [sflag:s0], s1  }
0x6a: {  	s1 =	ssub.s32 @!p0 $0x0, s1;
	[sflag:s0] =	ssyncset.done @!p0 $0x0  }
0x6b: {  	[sflag:s0] =	ssyncadd.s32 @!p0 s1  }
0x6c: {  	[bflag:$0x3] =	sbarrier.arrive $0xFFFF  }
0x6d: {  	_ =	shalt  }

</sc_bundles>
